<compile_context>
chip_gen: v7x
topology: tpu7x:2x2x1
jax: 0.10.2.dev20260603
libtpu: 0.0.44.dev20260713+nightly
codegen_flags: <defaults>
</compile_context>

<pallas_src>
import functools

import jax
import jax.numpy as jnp
from jax import lax
from jax.experimental import pallas as pl
from jax.experimental.pallas import tpu as pltpu
from jax.experimental.pallas import tpu_sc as plsc

B = 256; S = 64; H = 512; D = 64; NC = 512; SKEL = 256; K = 9
BN_EPS = 1e-5
L4 = S // 4



def _mm_body(x_ref, w_ref, s_ref, t_ref, o_ref, *, act):
    acc = jnp.dot(x_ref[...], w_ref[...], preferred_element_type=jnp.float32)
    y = acc * s_ref[...] + t_ref[...]
    if act == "lrelu":
        y = jnp.where(y >= 0, y, 0.2 * y)
    o_ref[...] = y


def _mm(x, w, scale, shift, act="none", mb=256, half=False):
    if half:
        x = x.astype(jnp.bfloat16)
        w = w.astype(jnp.bfloat16)
    M, Kd = x.shape
    N = w.shape[1]
    return pl.pallas_call(
        functools.partial(_mm_body, act=act),
        grid=(M // mb,),
        in_specs=[
            pl.BlockSpec((mb, Kd), lambda i: (i, 0)),
            pl.BlockSpec((Kd, N), lambda i: (0, 0)),
            pl.BlockSpec((1, N), lambda i: (0, 0)),
            pl.BlockSpec((1, N), lambda i: (0, 0)),
        ],
        out_specs=pl.BlockSpec((mb, N), lambda i: (i, 0)),
        out_shape=jax.ShapeDtypeStruct((M, N), jnp.float32),
    )(x, w, scale, shift)



def _convf_body(*refs, nsrc, l_in):
    srcs = refs[:4 * nsrc]
    w_ref, s_ref, t_ref, o_ref = refs[4 * nsrc:]
    t = pl.program_id(0)
    parts = []
    for j in range(4):
        if j == 0:
            m = (t > 0).astype(jnp.float32)
        elif j == 3:
            m = (2 * t + 2 < l_in).astype(jnp.float32)
        else:
            m = None
        for si in range(nsrc):
            xj = srcs[j * nsrc + si][0]
            parts.append(xj if m is None else xj * m)
    xcat = jnp.concatenate(parts, axis=-1)
    acc = jnp.dot(xcat, w_ref[...], preferred_element_type=jnp.float32)
    y = acc * s_ref[...] + t_ref[...]
    o_ref[0] = jnp.where(y >= 0, y, 0.2 * y)


def _conv_fused(srcs, w, scale, shift):
    nsrc = len(srcs)
    l_in = srcs[0].shape[0]
    l_out = l_in // 2
    n = w.shape[1]
    in_specs = []
    args = []
    for j in range(4):
        for s in srcs:
            c = s.shape[2]
            in_specs.append(pl.BlockSpec(
                (1, B, c),
                lambda t, j=j: (jnp.clip(2 * t + j - 1, 0, l_in - 1), 0, 0)))
            args.append(s)
    zmap = lambda t: (0, 0)
    in_specs += [pl.BlockSpec(w.shape, zmap),
                 pl.BlockSpec((1, n), zmap), pl.BlockSpec((1, n), zmap)]
    return pl.pallas_call(
        functools.partial(_convf_body, nsrc=nsrc, l_in=l_in),
        grid=(l_out,),
        in_specs=in_specs,
        out_specs=pl.BlockSpec((1, B, n), lambda t: (t, 0, 0)),
        out_shape=jax.ShapeDtypeStruct((l_out, B, n), jnp.float32),
    )(*args, w, scale, shift)



def _enc_scan_body(gi_ref, h0_ref, whhT_ref, bhh_ref,
                   so_ref, to_ref, ys_ref, h_s):
    t = pl.program_id(0)

    @pl.when(t == 0)
    def _():
        h_s[...] = h0_ref[...]

    h = h_s[...]
    gh = jnp.dot(h, whhT_ref[...], preferred_element_type=jnp.float32)
    gh = gh + bhh_ref[...]
    gi = gi_ref[0]
    r = jax.nn.sigmoid(gi[:, :H] + gh[:, :H])
    z = jax.nn.sigmoid(gi[:, H:2 * H] + gh[:, H:2 * H])
    n = jnp.tanh(gi[:, 2 * H:] + r * gh[:, 2 * H:])
    h2 = (1.0 - z) * n + z * h
    h_s[...] = h2
    ys_ref[0] = so_ref[...] * h2 + to_ref[...]


def _enc_scan(gi, h0, whhT, bhh, so, to, reverse):
    if reverse:
        tmap = lambda t: (S - 1 - t, 0, 0)
    else:
        tmap = lambda t: (t, 0, 0)
    zmap2 = lambda t: (0, 0)
    return pl.pallas_call(
        _enc_scan_body,
        grid=(S,),
        in_specs=[
            pl.BlockSpec((1, B, 3 * H), tmap),
            pl.BlockSpec((B, H), zmap2),
            pl.BlockSpec((H, 3 * H), zmap2),
            pl.BlockSpec((1, 3 * H), zmap2),
            pl.BlockSpec((1, H), zmap2),
            pl.BlockSpec((1, H), zmap2),
        ],
        out_specs=pl.BlockSpec((1, B, H), tmap),
        out_shape=jax.ShapeDtypeStruct((S, B, H), jnp.float32),
        scratch_shapes=[pltpu.VMEM((B, H), jnp.float32)],
    )(gi, h0, whhT, bhh, so, to)



def _dec_scan_body(cur_ref, np_ref, u_ref, h0_ref, wrest_ref, bih1_ref,
                   woutT_ref,
                   g1whhT_ref, bhh1_ref, g2wihT_ref, bih2_ref, g2whhT_ref,
                   bhh2_ref, nfcT_ref, nfcb_ref, gate_ref,
                   rec_ref, hx0_s, hx1_s, outb_s):
    t = pl.program_id(0)

    @pl.when(t == 0)
    def _():
        hx0_s[...] = h0_ref[...]
        outb_s[...] = jnp.zeros_like(outb_s)

    gate = gate_ref[0, 0] > 0.0
    out = jnp.where(gate, np_ref[0], outb_s[...])
    gi1 = jnp.dot(cur_ref[0], wrest_ref[...],
                  preferred_element_type=jnp.float32) + bih1_ref[...]
    gi1 = gi1 + jnp.dot(out.astype(jnp.bfloat16), woutT_ref[...],
                        preferred_element_type=jnp.float32)
    h0p = hx0_s[...]
    gh1 = jnp.dot(h0p.astype(jnp.bfloat16), g1whhT_ref[...],
                  preferred_element_type=jnp.float32)
    gh1 = gh1 + bhh1_ref[...]
    r1 = jax.nn.sigmoid(gi1[:, :H] + gh1[:, :H])
    z1 = jax.nn.sigmoid(gi1[:, H:2 * H] + gh1[:, H:2 * H])
    n1 = jnp.tanh(gi1[:, 2 * H:] + r1 * gh1[:, 2 * H:])
    hx0n = (1.0 - z1) * n1 + z1 * h0p

    h1p = jnp.where(t == 0, hx0n, hx1_s[...])
    gi2 = jnp.dot(hx0n.astype(jnp.bfloat16), g2wihT_ref[...],
                  preferred_element_type=jnp.float32)
    gi2 = gi2 + bih2_ref[...]
    gh2 = jnp.dot(h1p.astype(jnp.bfloat16), g2whhT_ref[...],
                  preferred_element_type=jnp.float32)
    gh2 = gh2 + bhh2_ref[...]
    r2 = jax.nn.sigmoid(gi2[:, :H] + gh2[:, :H])
    z2 = jax.nn.sigmoid(gi2[:, H:2 * H] + gh2[:, H:2 * H])
    n2 = jnp.tanh(gi2[:, 2 * H:] + r2 * gh2[:, 2 * H:])
    hx1n = (1.0 - z2) * n2 + z2 * h1p

    no = jnp.dot(hx1n, nfcT_ref[...], preferred_element_type=jnp.float32)
    no = no + nfcb_ref[...]
    rec_ref[0] = no
    outb_s[...] = (jax.nn.sigmoid(no) - u_ref[0] > 0).astype(jnp.float32)
    hx0_s[...] = hx0n
    hx1_s[...] = hx1n


def _dec_scan(cur_rest, note_prev, u, h0, wrest, bih1, woutT, g1whhT, bhh1,
              g2wihT, bih2, g2whhT, bhh2, nfcT, nfcb, gate):
    tmap3 = lambda t: (t, 0, 0)
    zmap2 = lambda t: (0, 0)
    cw = cur_rest.shape[2]
    return pl.pallas_call(
        _dec_scan_body,
        grid=(S,),
        in_specs=[
            pl.BlockSpec((1, B, cw), tmap3),
            pl.BlockSpec((1, B, K), tmap3),
            pl.BlockSpec((1, B, K), tmap3),
            pl.BlockSpec((B, H), zmap2),
            pl.BlockSpec((cw, 3 * H), zmap2),
            pl.BlockSpec((1, 3 * H), zmap2),
            pl.BlockSpec((K, 3 * H), zmap2),
            pl.BlockSpec((H, 3 * H), zmap2),
            pl.BlockSpec((1, 3 * H), zmap2),
            pl.BlockSpec((H, 3 * H), zmap2),
            pl.BlockSpec((1, 3 * H), zmap2),
            pl.BlockSpec((H, 3 * H), zmap2),
            pl.BlockSpec((1, 3 * H), zmap2),
            pl.BlockSpec((H, K), zmap2),
            pl.BlockSpec((1, K), zmap2),
            pl.BlockSpec(memory_space=pltpu.SMEM),
        ],
        out_specs=pl.BlockSpec((1, B, K), tmap3),
        out_shape=jax.ShapeDtypeStruct((S, B, K), jnp.float32),
        scratch_shapes=[pltpu.VMEM((B, H), jnp.float32),
                        pltpu.VMEM((B, H), jnp.float32),
                        pltpu.VMEM((B, K), jnp.float32)],
    )(cur_rest, note_prev, u, h0, wrest, bih1, woutT, g1whhT, bhh1, g2wihT,
      bih2, g2whhT, bhh2, nfcT, nfcb, gate)



def _vq_argmin_body(f_ref, et_ref, idx_ref):
    f = f_ref[...]
    et = et_ref[...]
    f2 = jnp.sum(f * f, axis=1, keepdims=True)
    e2 = jnp.sum(et * et, axis=0, keepdims=True)
    dist = f2 - 2.0 * jnp.dot(f, et, preferred_element_type=jnp.float32) + e2
    idx_ref[...] = jnp.argmin(dist, axis=1).astype(jnp.int32)[:, None]


def _vq_argmin(flat, embT):
    M = flat.shape[0]
    return pl.pallas_call(
        _vq_argmin_body,
        in_specs=[pl.BlockSpec((M, D), lambda: (0, 0)),
                  pl.BlockSpec((D, NC), lambda: (0, 0))],
        out_specs=pl.BlockSpec((M, 1), lambda: (0, 0)),
        out_shape=jax.ShapeDtypeStruct((M, 1), jnp.int32),
    )(flat, embT)


def _sc_quant_gather(embed, idx):
    M = idx.shape[0]
    dp = 128
    table = jnp.pad(embed, ((0, 0), (0, dp - D)))
    info = plsc.get_sparse_core_info()
    nw = info.num_cores * info.num_subcores
    bpw = M // nw
    mesh = plsc.VectorSubcoreMesh(core_axis_name="c", subcore_axis_name="s")

    @functools.partial(
        pl.kernel, mesh=mesh,
        out_type=jax.ShapeDtypeStruct((M, dp), jnp.float32),
        scratch_types=[pltpu.VMEM((bpw,), jnp.int32),
                       pltpu.VMEM((bpw, dp), jnp.float32),
                       pltpu.SemaphoreType.DMA],
    )
    def gather_k(table_hbm, idx_hbm, out_hbm, idx_v, rows_v, sem):
        wid = lax.axis_index("s") * info.num_cores + lax.axis_index("c")
        base = wid * bpw
        pltpu.sync_copy(idx_hbm.at[pl.ds(base, bpw)], idx_v)
        pltpu.async_copy(table_hbm.at[idx_v], rows_v, sem).wait()
        pltpu.sync_copy(rows_v, out_hbm.at[pl.ds(base, bpw)])

    return gather_k(table, idx)[:, :D]


def _vq_mse_body(f_ref, q_ref, loss_ref, cmt_ref):
    dq = q_ref[...] - f_ref[...]
    mse = jnp.mean(dq * dq)
    cmt_ref[...] = mse.reshape(1, 1)
    loss_ref[...] = (mse + 0.2 * mse).reshape(1, 1)


def _vq_mse(flat, quant):
    M = flat.shape[0]
    zmap = lambda: (0, 0)
    return pl.pallas_call(
        _vq_mse_body,
        in_specs=[pl.BlockSpec((M, D), zmap),
                  pl.BlockSpec((M, D), zmap)],
        out_specs=[pl.BlockSpec((1, 1), zmap)] * 2,
        out_shape=[jax.ShapeDtypeStruct((1, 1), jnp.float32)] * 2,
    )(flat, quant)


def _vq_perp_body(idx_ref, perp_ref):
    M = idx_ref.shape[0]
    onehot = (idx_ref[...] ==
              lax.broadcasted_iota(jnp.int32, (M, NC), 1)).astype(jnp.float32)
    avg = jnp.sum(onehot, axis=0) * (1.0 / M)
    perp = jnp.exp(-jnp.sum(avg * jnp.log(avg + 1e-10)))
    perp_ref[...] = perp.reshape(1, 1)


def _vq_perp(idx):
    M = idx.shape[0]
    zmap = lambda: (0, 0)
    return pl.pallas_call(
        _vq_perp_body,
        in_specs=[pl.BlockSpec((M, 1), zmap)],
        out_specs=pl.BlockSpec((1, 1), zmap),
        out_shape=jax.ShapeDtypeStruct((1, 1), jnp.float32),
    )(idx)



def kernel(note, skel, skel_encoded, training, teacher_forcing_ratio, params):
    p = params
    f32 = jnp.float32
    inv = 1.0 / jnp.sqrt(jnp.asarray(1.0 + BN_EPS, f32))

    note_t = note.transpose(1, 0, 2)
    skel_t = skel.transpose(1, 0, 2)

    x = _mm(note_t.reshape(S * B, K), p['enc_in_w'].T,
            jnp.ones((1, H), f32), p['enc_in_b'][None])
    gi_f = _mm(x, p['enc_gru_wih_f'].T, jnp.ones((1, 3 * H), f32),
               p['enc_gru_bih_f'][None]).reshape(S, B, 3 * H)
    gi_b = _mm(x, p['enc_gru_wih_b'].T, jnp.ones((1, 3 * H), f32),
               p['enc_gru_bih_b'][None]).reshape(S, B, 3 * H)

    w_hid = jnp.concatenate([p['enc_hfc_w'].T, p['dec_hfc_w'].T], axis=1)
    b_hid = jnp.concatenate([p['enc_hfc_b'], p['dec_hfc_b']])[None]
    hid_all = _mm(skel_encoded, w_hid, jnp.ones((1, 2 * H), f32), b_hid)
    h0_enc = hid_all[:, :H]
    h0_dec = hid_all[:, H:]

    sa = (p['aux1_g'] * inv)[None]
    ta = p['aux1_b'][None]
    yf = _enc_scan(gi_f, h0_enc, p['enc_gru_whh_f'].T,
                   p['enc_gru_bhh_f'][None], sa[:, :H], ta[:, :H], False)
    yb = _enc_scan(gi_b, h0_enc, p['enc_gru_whh_b'].T,
                   p['enc_gru_bhh_b'][None], sa[:, H:], ta[:, H:], True)

    w1 = p['c1_w'].transpose(2, 1, 0).reshape(8 * H, H)
    s1 = (p['bn1_g'] * inv)[None]
    t1 = (p['c1_b'] * s1[0] + p['bn1_b'])[None]
    h1 = _conv_fused([yf, yb], w1, s1, t1)

    w2 = p['c2_w'].transpose(2, 1, 0).reshape(4 * H, H)
    s2 = (p['bn2_g'] * inv)[None]
    t2 = (p['c2_b'] * s2[0] + p['bn2_b'])[None]
    h2 = _conv_fused([h1], w2, s2, t2)

    flat = _mm(h2.reshape(L4 * B, H), p['c3_w'][:, :, 0].T,
               jnp.ones((1, D), f32),
               p['c3_b'][None])

    idx2 = _vq_argmin(flat, p['embed'].T)
    idx = idx2.reshape(L4 * B)
    quant = _sc_quant_gather(p['embed'], idx)
    perp2 = _vq_perp(idx2)
    loss2, cmt2 = _vq_mse(flat, quant)

    q_sb = quant.reshape(L4, B, D)
    qz = q_sb.transpose(1, 2, 0)
    enc_idx = idx.reshape(L4, B).T[:, :, None]

    qp = jnp.pad(q_sb.astype(jnp.bfloat16), ((1, 2), (0, 0), (0, 0)))
    x1p = jnp.concatenate([qp[1:19], qp[0:18]], axis=-1)
    w_ct1 = jnp.concatenate(
        [jnp.concatenate([p['ct1_w'][:, :, 0], p['ct1_w'][:, :, 2]], axis=0),
         jnp.concatenate([p['ct1_w'][:, :, 1], p['ct1_w'][:, :, 3]], axis=0)],
        axis=1)
    sd1 = p['dbn1_g'] * inv
    td1 = p['ct1_b'] * sd1 + p['dbn1_b']
    o1 = _mm(x1p.reshape(18 * B, 2 * D), w_ct1,
             jnp.tile(sd1, 2)[None], jnp.tile(td1, 2)[None], act="lrelu",
             half=True)
    d1 = (o1.reshape(18, B, 2, H).transpose(0, 2, 1, 3)
          .reshape(36, B, H)[:35])

    d1p = jnp.pad(d1.astype(jnp.bfloat16), ((1, 0), (0, 0), (0, 0)))
    x2p = jnp.concatenate([d1p[1:33], d1p[0:32]], axis=-1)
    w_ct2 = jnp.concatenate(
        [jnp.concatenate([p['ct2_w'][:, :, 0], p['ct2_w'][:, :, 2]], axis=0),
         jnp.concatenate([p['ct2_w'][:, :, 1], p['ct2_w'][:, :, 3]], axis=0)],
        axis=1)
    sd2 = p['dbn2_g'] * inv
    td2 = p['ct2_b'] * sd2 + p['dbn2_b']
    o2 = _mm(x2p.reshape(32 * B, 2 * H), w_ct2,
             jnp.tile(sd2, 2)[None], jnp.tile(td2, 2)[None], act="lrelu",
             half=True)
    d_t = (o2.reshape(32, B, 2, H // 2).transpose(0, 2, 1, 3)
           .reshape(S, B, H // 2))

    w_g1 = p['g1_wih'].T
    cur_rest = jnp.concatenate([d_t.astype(jnp.bfloat16),
                                skel_t.astype(jnp.bfloat16)], axis=-1)
    note_prev = jnp.concatenate(
        [jnp.zeros((1, B, K), f32), note_t[:S - 1]], axis=0)
    u = jax.vmap(lambda i: jax.random.uniform(
        jax.random.fold_in(jax.random.key(1), i), (B, K)))(jnp.arange(S))
    gate = jnp.logical_and(training != 0, teacher_forcing_ratio >= 1.0)
    gate = gate.astype(f32).reshape(1, 1)
    bf16 = jnp.bfloat16
    rec_t = _dec_scan(cur_rest, note_prev, u, h0_dec,
                      w_g1[K:].astype(bf16), p['g1_bih'][None],
                      w_g1[:K].astype(bf16),
                      p['g1_whh'].T.astype(bf16), p['g1_bhh'][None],
                      p['g2_wih'].T.astype(bf16), p['g2_bih'][None],
                      p['g2_whh'].T.astype(bf16), p['g2_bhh'][None],
                      p['nfc_w'].T, p['nfc_b'][None], gate)
    recon = rec_t.transpose(1, 0, 2)

    loss = loss2.reshape(())
    cmt_loss = cmt2.reshape(())
    perplexity = perp2.reshape(())
    return recon, qz, loss, cmt_loss, enc_idx, perplexity

# --- scband reference (transcript-rebuilt; emitter-appended) ---
"""Pipeline reference for scband-note-vqvae-43387759624353 (READ-ONLY COPY).

The authoritative reference and input builder live on the scoring server;
editing this copy changes nothing except your own understanding.
"""

import jax, jax.numpy as jnp
import numpy as np

B = 256; S = 64; H = 512; D = 64; NC = 512; SKEL = 256; K = 9
BN_EPS = 1e-5

def _norm(k, shape, scale=0.05):
    return scale * jax.random.normal(k, shape, dtype=jnp.float32)

def linear(x, w, b):
    return x @ w.T + b

def lrelu(x):
    return jnp.where(x >= 0, x, 0.2 * x)

def bn_eval(x, g, b):
    # eval-mode BatchNorm1d with fresh running stats (mean=0, var=1)
    return g[None, :, None] * (x / jnp.sqrt(1.0 + BN_EPS)) + b[None, :, None]

def conv1d(x, w, b, stride, pad):
    y = jax.lax.conv_general_dilated(x, w, (stride,), [(pad, pad)],
                                     dimension_numbers=('NCH', 'OIH', 'NCH'))
    return y + b[None, :, None]

def conv_transpose1d(x, w, b, stride, k, out_pad):
    # w in pytorch ConvTranspose1d layout [in, out, k]
    w2 = jnp.flip(w, axis=2).transpose(1, 0, 2)
    y = jax.lax.conv_general_dilated(x, w2, (1,), [(k - 1, k - 1 + out_pad)],
                                     lhs_dilation=(stride,),
                                     dimension_numbers=('NCH', 'OIH', 'NCH'))
    return y + b[None, :, None]

def gru_cell(x, h, wih, whh, bih, bhh):
    gi = x @ wih.T + bih
    gh = h @ whh.T + bhh
    ir, iz, inn = jnp.split(gi, 3, axis=1)
    hr, hz, hn = jnp.split(gh, 3, axis=1)
    r = jax.nn.sigmoid(ir + hr)
    z = jax.nn.sigmoid(iz + hz)
    n = jnp.tanh(inn + r * hn)
    return (1.0 - z) * n + z * h

def gru_seq(x, h0, wih, whh, bih, bhh):
    def step(h, xt):
        h2 = gru_cell(xt, h, wih, whh, bih, bhh)
        return h2, h2
    _, ys = jax.lax.scan(step, h0, x.transpose(1, 0, 2))
    return ys.transpose(1, 0, 2)

def setup_inputs(seed: int = 0):
    key = jax.random.key(seed)
    ks = list(jax.random.split(key, 40)); it = iter(ks)
    note = (jax.random.uniform(next(it), (B, S, K)) > 0.7).astype(jnp.float32)
    skel = (jax.random.uniform(next(it), (B, S, K)) > 0.7).astype(jnp.float32)
    skel_encoded = jax.random.normal(next(it), (B, SKEL), dtype=jnp.float32)
    p = {}
    p['enc_hfc_w'] = _norm(next(it), (H, SKEL)); p['enc_hfc_b'] = jnp.zeros((H,), jnp.float32)
    p['enc_in_w'] = _norm(next(it), (H, K)); p['enc_in_b'] = jnp.zeros((H,), jnp.float32)
    for d in ('f', 'b'):
        p['enc_gru_wih_' + d] = _norm(next(it), (3 * H, H))
        p['enc_gru_whh_' + d] = _norm(next(it), (3 * H, H))
        p['enc_gru_bih_' + d] = jnp.zeros((3 * H,), jnp.float32)
        p['enc_gru_bhh_' + d] = jnp.zeros((3 * H,), jnp.float32)
    p['aux1_g'] = jnp.ones((2 * H,), jnp.float32); p['aux1_b'] = jnp.zeros((2 * H,), jnp.float32)
    p['c1_w'] = _norm(next(it), (H, 2 * H, 4)); p['c1_b'] = jnp.zeros((H,), jnp.float32)
    p['bn1_g'] = jnp.ones((H,), jnp.float32); p['bn1_b'] = jnp.zeros((H,), jnp.float32)
    p['c2_w'] = _norm(next(it), (H, H, 4)); p['c2_b'] = jnp.zeros((H,), jnp.float32)
    p['bn2_g'] = jnp.ones((H,), jnp.float32); p['bn2_b'] = jnp.zeros((H,), jnp.float32)
    p['c3_w'] = _norm(next(it), (D, H, 1)); p['c3_b'] = jnp.zeros((D,), jnp.float32)
    p['embed'] = jax.random.normal(next(it), (NC, D), dtype=jnp.float32)
    p['ct1_w'] = _norm(next(it), (D, H, 4)); p['ct1_b'] = jnp.zeros((H,), jnp.float32)
    p['dbn1_g'] = jnp.ones((H,), jnp.float32); p['dbn1_b'] = jnp.zeros((H,), jnp.float32)
    p['ct2_w'] = _norm(next(it), (H, H // 2, 4)); p['ct2_b'] = jnp.zeros((H // 2,), jnp.float32)
    p['dbn2_g'] = jnp.ones((H // 2,), jnp.float32); p['dbn2_b'] = jnp.zeros((H // 2,), jnp.float32)
    p['dec_hfc_w'] = _norm(next(it), (H, SKEL)); p['dec_hfc_b'] = jnp.zeros((H,), jnp.float32)
    in1 = H // 2 + 2 * K
    p['g1_wih'] = _norm(next(it), (3 * H, in1)); p['g1_whh'] = _norm(next(it), (3 * H, H))
    p['g1_bih'] = jnp.zeros((3 * H,), jnp.float32); p['g1_bhh'] = jnp.zeros((3 * H,), jnp.float32)
    p['g2_wih'] = _norm(next(it), (3 * H, H)); p['g2_whh'] = _norm(next(it), (3 * H, H))
    p['g2_bih'] = jnp.zeros((3 * H,), jnp.float32); p['g2_bhh'] = jnp.zeros((3 * H,), jnp.float32)
    p['nfc_w'] = _norm(next(it), (K, H)); p['nfc_b'] = jnp.zeros((K,), jnp.float32)
    return {"note": note, "skel": skel, "skel_encoded": skel_encoded,
            "training": 1, "teacher_forcing_ratio": 1, "params": p}

def _forward(note, skel, skel_encoded, params, training, tf_ratio):
    p = params
    b = note.shape[0]
    # ----- Note_Encoder -----
    hid = linear(skel_encoded, p['enc_hfc_w'], p['enc_hfc_b'])
    x = linear(note, p['enc_in_w'], p['enc_in_b'])
    yf = gru_seq(x, hid, p['enc_gru_wih_f'], p['enc_gru_whh_f'], p['enc_gru_bih_f'], p['enc_gru_bhh_f'])
    yb = jnp.flip(gru_seq(jnp.flip(x, axis=1), hid, p['enc_gru_wih_b'], p['enc_gru_whh_b'], p['enc_gru_bih_b'], p['enc_gru_bhh_b']), axis=1)
    y = jnp.concatenate([yf, yb], axis=2).transpose(0, 2, 1)
    y = bn_eval(y, p['aux1_g'], p['aux1_b'])
    y = lrelu(bn_eval(conv1d(y, p['c1_w'], p['c1_b'], 2, 1), p['bn1_g'], p['bn1_b']))
    y = lrelu(bn_eval(conv1d(y, p['c2_w'], p['c2_b'], 2, 1), p['bn2_g'], p['bn2_b']))
    z = conv1d(y, p['c3_w'], p['c3_b'], 1, 0)  # [B, D, S/4]
    # ----- Vector_Quantizer (eval mode: no EMA buffer update) -----
    inp = z.transpose(0, 2, 1)
    flat = inp.reshape(-1, D)
    dist = (flat ** 2).sum(1, keepdims=True) - 2.0 * flat @ p['embed'].T + (p['embed'] ** 2).sum(1)
    idx = jnp.argmin(dist, axis=1)
    enc = jax.nn.one_hot(idx, NC, dtype=jnp.float32)
    quant = (enc @ p['embed']).reshape(inp.shape)
    codebook_loss = jnp.mean((jax.lax.stop_gradient(quant) - inp) ** 2)
    cmt_loss = jnp.mean((quant - jax.lax.stop_gradient(inp)) ** 2)
    loss = codebook_loss + 0.2 * cmt_loss
    quant_st = inp + jax.lax.stop_gradient(quant - inp)
    qz = quant_st.transpose(0, 2, 1)
    avg = enc.mean(0)
    perplexity = jnp.exp(-jnp.sum(avg * jnp.log(avg + 1e-10)))
    enc_idx = idx.reshape(b, -1, 1)
    # ----- Note_Decoder -----
    d = lrelu(bn_eval(conv_transpose1d(qz, p['ct1_w'], p['ct1_b'], 2, 4, 1), p['dbn1_g'], p['dbn1_b']))
    d = lrelu(bn_eval(conv_transpose1d(d, p['ct2_w'], p['ct2_b'], 2, 4, 0), p['dbn2_g'], p['dbn2_b']))
    d = d.transpose(0, 2, 1)  # [B, S+8, H//2]
    hx0 = linear(skel_encoded, p['dec_hfc_w'], p['dec_hfc_b'])
    hx1 = None
    out = jnp.zeros((b, K), jnp.float32)
    tf_gate = jnp.logical_and(training != 0, tf_ratio >= 1.0)
    outs = []
    for i in range(S):
        cur = jnp.concatenate([out, d[:, i, :], skel[:, i, :]], axis=1)
        hx0 = gru_cell(cur, hx0, p['g1_wih'], p['g1_whh'], p['g1_bih'], p['g1_bhh'])
        if i == 0:
            hx1 = hx0
        hx1 = gru_cell(hx0, hx1, p['g2_wih'], p['g2_whh'], p['g2_bih'], p['g2_bhh'])
        no = linear(hx1, p['nfc_w'], p['nfc_b'])
        outs.append(no)
        out_tf = note[:, i, :]  # teacher forcing: torch.rand(1) < 1.0 almost surely
        rk = jax.random.fold_in(jax.random.key(1), i)
        prob = jax.nn.sigmoid(no) - jax.random.uniform(rk, no.shape)
        out_free = (prob > 0).astype(jnp.float32)
        out = jnp.where(tf_gate, out_tf, out_free)
    recon = jnp.stack(outs, axis=1)
    return recon, qz, loss, cmt_loss, enc_idx, perplexity

def reference(note, skel, skel_encoded, training, teacher_forcing_ratio, params):
    return _forward(note, skel, skel_encoded, params, training, teacher_forcing_ratio)

if __name__ == "__main__":
    import jax
    _d = setup_inputs()
    print(jax.jit(kernel)(*tuple(_d.values())))

</pallas_src>

<mosaic_0001>
#map = affine_map<(d0, d1) -> (0, 0)>
#map1 = affine_map<(d0, d1) -> (0)>
module attributes {stable_mosaic.version = 14 : i64} {
  func.func @gather_k(%arg0: i32, %arg1: i32, %arg2: memref<512x128xf32, #tpu.memory_space<hbm>>, %arg3: memref<4096xi32, #tpu.memory_space<hbm>>, %arg4: memref<4096x128xf32, #tpu.memory_space<hbm>>, %arg5: memref<128xi32, #tpu.memory_space<vmem>>, %arg6: memref<128x128xf32, #tpu.memory_space<vmem>>, %arg7: memref<!tpu.dma_semaphore, #tpu.memory_space<semaphore_mem>>) attributes {dimension_semantics = [#tpu.dimension_semantics<core_parallel>, #tpu.dimension_semantics<subcore_parallel>], iteration_bounds = array<i64: 2, 16>, scalar_prefetch = 0 : i64, scratch_operands = 3 : i64, tpu.core_type = #tpu.core_type<sc_vector_subcore>, window_params = [{transform_indices = #map}, {transform_indices = #map1}, {transform_indices = #map}]} {
    %mul3A = arith.constant 2 : i32
    %mul3A_0 = arith.muli %arg1, %mul3A : i32
    %add3A = arith.addi %mul3A_0, %arg0 : i32
    %mul3A_1 = arith.constant 128 : i32
    %mul3A_2 = arith.muli %add3A, %mul3A_1 : i32
    "tpu.region"() ({
      %run_scoped3A = tpu.sem_alloc : memref<!tpu.dma_semaphore, #tpu.memory_space<semaphore_mem>>
      %dma_start3A_7 = tpu.memref_slice %arg3[%mul3A_2] : memref<4096xi32, #tpu.memory_space<hbm>> -> memref<128xi32, #tpu.memory_space<hbm>>
      %dma_start3A_8 = tpu.memref_slice %arg3[%mul3A_2] : memref<4096xi32, #tpu.memory_space<hbm>> -> memref<128xi32, #tpu.memory_space<hbm>>
      tpu.enqueue_dma source(%dma_start3A_8 : memref<128xi32, #tpu.memory_space<hbm>>) target(%arg5 : memref<128xi32, #tpu.memory_space<vmem>>) target_semaphore(%run_scoped3A : memref<!tpu.dma_semaphore, #tpu.memory_space<semaphore_mem>>)
      %dma_wait3A_9 = tpu.memref_slice %arg3[%mul3A_2] : memref<4096xi32, #tpu.memory_space<hbm>> -> memref<128xi32, #tpu.memory_space<hbm>>
      %dma_wait3A_10 = tpu.memref_slice %arg3[%mul3A_2] : memref<4096xi32, #tpu.memory_space<hbm>> -> memref<128xi32, #tpu.memory_space<hbm>>
      tpu.wait_dma2 semaphore(%run_scoped3A : memref<!tpu.dma_semaphore, #tpu.memory_space<semaphore_mem>>) src(%dma_wait3A_10 : memref<128xi32, #tpu.memory_space<hbm>>) dst(%arg5 : memref<128xi32, #tpu.memory_space<vmem>>)
      tpu.yield
    }) : () -> ()
    %dma_start3A = arith.constant 0 : i32
    %dma_start3A_3 = arith.constant 0 : i32
    %dma_start3A_4 = tpu.memref_slice %arg2[%dma_start3A, %dma_start3A_3] : memref<512x128xf32, #tpu.memory_space<hbm>> -> memref<512x128xf32, #tpu.memory_space<hbm>>
    tpu.enqueue_indirect_dma source(%dma_start3A_4 : memref<512x128xf32, #tpu.memory_space<hbm>>) target(%arg6 : memref<128x128xf32, #tpu.memory_space<vmem>>) offsets(%arg5 : memref<128xi32, #tpu.memory_space<vmem>>) semaphore(%arg7 : memref<!tpu.dma_semaphore, #tpu.memory_space<semaphore_mem>>)
    %dma_wait3A = arith.constant 0 : i32
    %dma_wait3A_5 = arith.constant 0 : i32
    %dma_wait3A_6 = tpu.memref_slice %arg2[%dma_wait3A, %dma_wait3A_5] : memref<512x128xf32, #tpu.memory_space<hbm>> -> memref<512x128xf32, #tpu.memory_space<hbm>>
    tpu.wait_indirect_dma semaphore(%arg7 : memref<!tpu.dma_semaphore, #tpu.memory_space<semaphore_mem>>) src(%dma_wait3A_6 : memref<512x128xf32, #tpu.memory_space<hbm>>) dst(%arg6 : memref<128x128xf32, #tpu.memory_space<vmem>>)
    "tpu.region"() ({
      %run_scoped3A = tpu.sem_alloc : memref<!tpu.dma_semaphore, #tpu.memory_space<semaphore_mem>>
      %dma_start3A_7 = arith.constant 0 : i32
      %dma_start3A_8 = tpu.memref_slice %arg4[%mul3A_2, %dma_start3A_7] : memref<4096x128xf32, #tpu.memory_space<hbm>> -> memref<128x128xf32, #tpu.memory_space<hbm>>
      %dma_start3A_9 = arith.constant 0 : i32
      %dma_start3A_10 = tpu.memref_slice %arg4[%mul3A_2, %dma_start3A_9] : memref<4096x128xf32, #tpu.memory_space<hbm>> -> memref<128x128xf32, #tpu.memory_space<hbm>>
      tpu.enqueue_dma source(%arg6 : memref<128x128xf32, #tpu.memory_space<vmem>>) target(%dma_start3A_10 : memref<128x128xf32, #tpu.memory_space<hbm>>) target_semaphore(%run_scoped3A : memref<!tpu.dma_semaphore, #tpu.memory_space<semaphore_mem>>)
      %dma_wait3A_11 = arith.constant 0 : i32
      %dma_wait3A_12 = tpu.memref_slice %arg4[%mul3A_2, %dma_wait3A_11] : memref<4096x128xf32, #tpu.memory_space<hbm>> -> memref<128x128xf32, #tpu.memory_space<hbm>>
      %dma_wait3A_13 = arith.constant 0 : i32
      %dma_wait3A_14 = tpu.memref_slice %arg4[%mul3A_2, %dma_wait3A_13] : memref<4096x128xf32, #tpu.memory_space<hbm>> -> memref<128x128xf32, #tpu.memory_space<hbm>>
      tpu.wait_dma2 semaphore(%run_scoped3A : memref<!tpu.dma_semaphore, #tpu.memory_space<semaphore_mem>>) src(%arg6 : memref<128x128xf32, #tpu.memory_space<vmem>>) dst(%dma_wait3A_14 : memref<128x128xf32, #tpu.memory_space<hbm>>)
      tpu.yield
    }) : () -> ()
    return
  }
}

module attributes {stable_mosaic.version = 14 : i64} {
  func.func @_mm_body(%arg0: i32, %arg1: memref<256x256xf32, #tpu.memory_space<vmem>>, %arg2: memref<256x1024xf32, #tpu.memory_space<vmem>>, %arg3: memref<1x1024xf32, #tpu.memory_space<vmem>>, %arg4: memref<1x1024xf32, #tpu.memory_space<vmem>>, %arg5: memref<256x1024xf32, #tpu.memory_space<vmem>>) attributes {dimension_semantics = [#tpu.dimension_semantics<arbitrary>], iteration_bounds = array<i64: 1>, scalar_prefetch = 0 : i64, scratch_operands = 0 : i64, tpu.core_type = #tpu.core_type<tc>, window_params = [{transform_indices = @transform_0, window_bounds = array<i64: 256, 256>}, {pipeline_mode = #tpu.pipeline_mode<synchronous>, transform_indices = @transform_1, window_bounds = array<i64: 256, 1024>}, {pipeline_mode = #tpu.pipeline_mode<synchronous>, transform_indices = @transform_2, window_bounds = array<i64: 1, 1024>}, {pipeline_mode = #tpu.pipeline_mode<synchronous>, transform_indices = @transform_3, window_bounds = array<i64: 1, 1024>}, {transform_indices = @transform_4, window_bounds = array<i64: 256, 1024>}]} {
    %get3A = arith.constant 0 : index
    %get3A_0 = arith.constant 0 : index
    %get3A_1 = vector.load %arg1[%get3A, %get3A_0] : memref<256x256xf32, #tpu.memory_space<vmem>>, vector<256x256xf32>
    %get3A_2 = arith.constant 0 : index
    %get3A_3 = arith.constant 0 : index
    %get3A_4 = vector.load %arg2[%get3A_2, %get3A_3] : memref<256x1024xf32, #tpu.memory_space<vmem>>, vector<256x1024xf32>
    %dot_general3A = arith.constant dense<0.000000e+00> : vector<256x1024xf32>
    %dot_general3A_5 = tpu.matmul %get3A_1, %get3A_4, %dot_general3A {dimension_numbers = #tpu.dot_dimension_numbers<[1], [0], [0], [1], [0, 0, 1, 1], [], []>, transpose_lhs_hint = false} : vector<256x256xf32>, vector<256x1024xf32>, vector<256x1024xf32> -> vector<256x1024xf32>
    %get3A_6 = arith.constant 0 : index
    %get3A_7 = arith.constant 0 : index
    %get3A_8 = vector.load %arg3[%get3A_6, %get3A_7] : memref<1x1024xf32, #tpu.memory_space<vmem>>, vector<1x1024xf32>
    %mul3A = vector.broadcast %get3A_8 : vector<1x1024xf32> to vector<256x1024xf32>
    %mul3A_9 = arith.mulf %dot_general3A_5, %mul3A : vector<256x1024xf32>
    %get3A_10 = arith.constant 0 : index
    %get3A_11 = arith.constant 0 : index
    %get3A_12 = vector.load %arg4[%get3A_10, %get3A_11] : memref<1x1024xf32, #tpu.memory_space<vmem>>, vector<1x1024xf32>
    %add3A = vector.broadcast %get3A_12 : vector<1x1024xf32> to vector<256x1024xf32>
    %add3A_13 = arith.addf %mul3A_9, %add3A : vector<256x1024xf32>
    %swap3A = arith.constant 0 : index
    %swap3A_14 = arith.constant 0 : index
    %swap3A_15 = vector.load %arg5[%swap3A, %swap3A_14] : memref<256x1024xf32, #tpu.memory_space<vmem>>, vector<256x1024xf32>
    tpu.vector_store %arg5[%swap3A, %swap3A_14], %add3A_13 {strides = array<i32>} : memref<256x1024xf32, #tpu.memory_space<vmem>>, vector<256x1024xf32>,
    return
  }
  func.func @transform_0(%arg0: i32) -> (i32, i32) {
    %c0_i32 = arith.constant 0 : i32
    %c0_i32_0 = arith.constant 0 : i32
    return %arg0, %c0_i32 : i32, i32
  }
  func.func @transform_1(%arg0: i32) -> (i32, i32) {
    %c0_i32 = arith.constant 0 : i32
    %c0_i32_0 = arith.constant 0 : i32
    %c0_i32_1 = arith.constant 0 : i32
    return %c0_i32, %c0_i32_0 : i32, i32
  }
  func.func @transform_2(%arg0: i32) -> (i32, i32) {
    %c0_i32 = arith.constant 0 : i32
    %c0_i32_0 = arith.constant 0 : i32
    %c0_i32_1 = arith.constant 0 : i32
    return %c0_i32, %c0_i32_0 : i32, i32
  }
  func.func @transform_3(%arg0: i32) -> (i32, i32) {
    %c0_i32 = arith.constant 0 : i32
    %c0_i32_0 = arith.constant 0 : i32
    %c0_i32_1 = arith.constant 0 : i32
    return %c0_i32, %c0_i32_0 : i32, i32
  }
  func.func @transform_4(%arg0: i32) -> (i32, i32) {
    %c0_i32 = arith.constant 0 : i32
    %c0_i32_0 = arith.constant 0 : i32
    return %arg0, %c0_i32 : i32, i32
  }
}

module attributes {stable_mosaic.version = 14 : i64} {
  func.func @_mm_body(%arg0: i32, %arg1: memref<256x9xf32, #tpu.memory_space<vmem>>, %arg2: memref<9x512xf32, #tpu.memory_space<vmem>>, %arg3: memref<1x512xf32, #tpu.memory_space<vmem>>, %arg4: memref<1x512xf32, #tpu.memory_space<vmem>>, %arg5: memref<256x512xf32, #tpu.memory_space<vmem>>) attributes {dimension_semantics = [#tpu.dimension_semantics<arbitrary>], iteration_bounds = array<i64: 64>, scalar_prefetch = 0 : i64, scratch_operands = 0 : i64, tpu.core_type = #tpu.core_type<tc>, window_params = [{transform_indices = @transform_0, window_bounds = array<i64: 256, 9>}, {pipeline_mode = #tpu.pipeline_mode<synchronous>, transform_indices = @transform_1, window_bounds = array<i64: 9, 512>}, {pipeline_mode = #tpu.pipeline_mode<synchronous>, transform_indices = @transform_2, window_bounds = array<i64: 1, 512>}, {pipeline_mode = #tpu.pipeline_mode<synchronous>, transform_indices = @transform_3, window_bounds = array<i64: 1, 512>}, {transform_indices = @transform_4, window_bounds = array<i64: 256, 512>}]} {
    %get3A = arith.constant 0 : index
    %get3A_0 = arith.constant 0 : index
    %get3A_1 = vector.load %arg1[%get3A, %get3A_0] : memref<256x9xf32, #tpu.memory_space<vmem>>, vector<256x9xf32>
    %get3A_2 = arith.constant 0 : index
    %get3A_3 = arith.constant 0 : index
    %get3A_4 = vector.load %arg2[%get3A_2, %get3A_3] : memref<9x512xf32, #tpu.memory_space<vmem>>, vector<9x512xf32>
    %dot_general3A = arith.constant dense<0.000000e+00> : vector<256x512xf32>
    %dot_general3A_5 = tpu.matmul %get3A_1, %get3A_4, %dot_general3A {dimension_numbers = #tpu.dot_dimension_numbers<[1], [0], [0], [1], [0, 0, 1, 1], [], []>, transpose_lhs_hint = false} : vector<256x9xf32>, vector<9x512xf32>, vector<256x512xf32> -> vector<256x512xf32>
    %get3A_6 = arith.constant 0 : index
    %get3A_7 = arith.constant 0 : index
    %get3A_8 = vector.load %arg3[%get3A_6, %get3A_7] : memref<1x512xf32, #tpu.memory_space<vmem>>, vector<1x512xf32>
    %mul3A = vector.broadcast %get3A_8 : vector<1x512xf32> to vector<256x512xf32>
    %mul3A_9 = arith.mulf %dot_general3A_5, %mul3A : vector<256x512xf32>
    %get3A_10 = arith.constant 0 : index
    %get3A_11 = arith.constant 0 : index
    %get3A_12 = vector.load %arg4[%get3A_10, %get3A_11] : memref<1x512xf32, #tpu.memory_space<vmem>>, vector<1x512xf32>
    %add3A = vector.broadcast %get3A_12 : vector<1x512xf32> to vector<256x512xf32>
    %add3A_13 = arith.addf %mul3A_9, %add3A : vector<256x512xf32>
    %swap3A = arith.constant 0 : index
    %swap3A_14 = arith.constant 0 : index
    %swap3A_15 = vector.load %arg5[%swap3A, %swap3A_14] : memref<256x512xf32, #tpu.memory_space<vmem>>, vector<256x512xf32>
    tpu.vector_store %arg5[%swap3A, %swap3A_14], %add3A_13 {strides = array<i32>} : memref<256x512xf32, #tpu.memory_space<vmem>>, vector<256x512xf32>,
    return
  }
  func.func @transform_0(%arg0: i32) -> (i32, i32) {
    %c0_i32 = arith.constant 0 : i32
    %c0_i32_0 = arith.constant 0 : i32
    return %arg0, %c0_i32 : i32, i32
  }
  func.func @transform_1(%arg0: i32) -> (i32, i32) {
    %c0_i32 = arith.constant 0 : i32
    %c0_i32_0 = arith.constant 0 : i32
    %c0_i32_1 = arith.constant 0 : i32
    return %c0_i32, %c0_i32_0 : i32, i32
  }
  func.func @transform_2(%arg0: i32) -> (i32, i32) {
    %c0_i32 = arith.constant 0 : i32
    %c0_i32_0 = arith.constant 0 : i32
    %c0_i32_1 = arith.constant 0 : i32
    return %c0_i32, %c0_i32_0 : i32, i32
  }
  func.func @transform_3(%arg0: i32) -> (i32, i32) {
    %c0_i32 = arith.constant 0 : i32
    %c0_i32_0 = arith.constant 0 : i32
    %c0_i32_1 = arith.constant 0 : i32
    return %c0_i32, %c0_i32_0 : i32, i32
  }
  func.func @transform_4(%arg0: i32) -> (i32, i32) {
    %c0_i32 = arith.constant 0 : i32
    %c0_i32_0 = arith.constant 0 : i32
    return %arg0, %c0_i32 : i32, i32
  }
}

module attributes {stable_mosaic.version = 14 : i64} {
  func.func @_mm_body(%arg0: i32, %arg1: memref<256x512xf32, #tpu.memory_space<vmem>>, %arg2: memref<512x1536xf32, #tpu.memory_space<vmem>>, %arg3: memref<1x1536xf32, #tpu.memory_space<vmem>>, %arg4: memref<1x1536xf32, #tpu.memory_space<vmem>>, %arg5: memref<256x1536xf32, #tpu.memory_space<vmem>>) attributes {dimension_semantics = [#tpu.dimension_semantics<arbitrary>], iteration_bounds = array<i64: 64>, scalar_prefetch = 0 : i64, scratch_operands = 0 : i64, tpu.core_type = #tpu.core_type<tc>, window_params = [{transform_indices = @transform_0, window_bounds = array<i64: 256, 512>}, {pipeline_mode = #tpu.pipeline_mode<synchronous>, transform_indices = @transform_1, window_bounds = array<i64: 512, 1536>}, {pipeline_mode = #tpu.pipeline_mode<synchronous>, transform_indices = @transform_2, window_bounds = array<i64: 1, 1536>}, {pipeline_mode = #tpu.pipeline_mode<synchronous>, transform_indices = @transform_3, window_bounds = array<i64: 1, 1536>}, {transform_indices = @transform_4, window_bounds = array<i64: 256, 1536>}]} {
    %get3A = arith.constant 0 : index
    %get3A_0 = arith.constant 0 : index
    %get3A_1 = vector.load %arg1[%get3A, %get3A_0] : memref<256x512xf32, #tpu.memory_space<vmem>>, vector<256x512xf32>
    %get3A_2 = arith.constant 0 : index
    %get3A_3 = arith.constant 0 : index
    %get3A_4 = vector.load %arg2[%get3A_2, %get3A_3] : memref<512x1536xf32, #tpu.memory_space<vmem>>, vector<512x1536xf32>
    %dot_general3A = arith.constant dense<0.000000e+00> : vector<256x1536xf32>
    %dot_general3A_5 = tpu.matmul %get3A_1, %get3A_4, %dot_general3A {dimension_numbers = #tpu.dot_dimension_numbers<[1], [0], [0], [1], [0, 0, 1, 1], [], []>, transpose_lhs_hint = false} : vector<256x512xf32>, vector<512x1536xf32>, vector<256x1536xf32> -> vector<256x1536xf32>
    %get3A_6 = arith.constant 0 : index
    %get3A_7 = arith.constant 0 : index
    %get3A_8 = vector.load %arg3[%get3A_6, %get3A_7] : memref<1x1536xf32, #tpu.memory_space<vmem>>, vector<1x1536xf32>
    %mul3A = vector.broadcast %get3A_8 : vector<1x1536xf32> to vector<256x1536xf32>
    %mul3A_9 = arith.mulf %dot_general3A_5, %mul3A : vector<256x1536xf32>
    %get3A_10 = arith.constant 0 : index
    %get3A_11 = arith.constant 0 : index
    %get3A_12 = vector.load %arg4[%get3A_10, %get3A_11] : memref<1x1536xf32, #tpu.memory_space<vmem>>, vector<1x1536xf32>
    %add3A = vector.broadcast %get3A_12 : vector<1x1536xf32> to vector<256x1536xf32>
    %add3A_13 = arith.addf %mul3A_9, %add3A : vector<256x1536xf32>
    %swap3A = arith.constant 0 : index
    %swap3A_14 = arith.constant 0 : index
    %swap3A_15 = vector.load %arg5[%swap3A, %swap3A_14] : memref<256x1536xf32, #tpu.memory_space<vmem>>, vector<256x1536xf32>
    tpu.vector_store %arg5[%swap3A, %swap3A_14], %add3A_13 {strides = array<i32>} : memref<256x1536xf32, #tpu.memory_space<vmem>>, vector<256x1536xf32>,
    return
  }
  func.func @transform_0(%arg0: i32) -> (i32, i32) {
    %c0_i32 = arith.constant 0 : i32
    %c0_i32_0 = arith.constant 0 : i32
    return %arg0, %c0_i32 : i32, i32
  }
  func.func @transform_1(%arg0: i32) -> (i32, i32) {
    %c0_i32 = arith.constant 0 : i32
    %c0_i32_0 = arith.constant 0 : i32
    %c0_i32_1 = arith.constant 0 : i32
    return %c0_i32, %c0_i32_0 : i32, i32
  }
  func.func @transform_2(%arg0: i32) -> (i32, i32) {
    %c0_i32 = arith.constant 0 : i32
    %c0_i32_0 = arith.constant 0 : i32
    %c0_i32_1 = arith.constant 0 : i32
    return %c0_i32, %c0_i32_0 : i32, i32
  }
  func.func @transform_3(%arg0: i32) -> (i32, i32) {
    %c0_i32 = arith.constant 0 : i32
    %c0_i32_0 = arith.constant 0 : i32
    %c0_i32_1 = arith.constant 0 : i32
    return %c0_i32, %c0_i32_0 : i32, i32
  }
  func.func @transform_4(%arg0: i32) -> (i32, i32) {
    %c0_i32 = arith.constant 0 : i32
    %c0_i32_0 = arith.constant 0 : i32
    return %arg0, %c0_i32 : i32, i32
  }
}

module attributes {stable_mosaic.version = 14 : i64} {
  func.func @_enc_scan_body(%arg0: i32, %arg1: memref<1x256x1536xf32, #tpu.memory_space<vmem>>, %arg2: memref<256x512xf32, #tpu.memory_space<vmem>>, %arg3: memref<512x1536xf32, #tpu.memory_space<vmem>>, %arg4: memref<1x1536xf32, #tpu.memory_space<vmem>>, %arg5: memref<1x512xf32, #tpu.memory_space<vmem>>, %arg6: memref<1x512xf32, #tpu.memory_space<vmem>>, %arg7: memref<1x256x512xf32, #tpu.memory_space<vmem>>, %arg8: memref<256x512xf32, #tpu.memory_space<vmem>>) attributes {dimension_semantics = [#tpu.dimension_semantics<arbitrary>], iteration_bounds = array<i64: 64>, scalar_prefetch = 0 : i64, scratch_operands = 1 : i64, tpu.core_type = #tpu.core_type<tc>, window_params = [{transform_indices = @transform_0, window_bounds = array<i64: 1, 256, 1536>}, {pipeline_mode = #tpu.pipeline_mode<synchronous>, transform_indices = @transform_1, window_bounds = array<i64: 256, 512>}, {pipeline_mode = #tpu.pipeline_mode<synchronous>, transform_indices = @transform_2, window_bounds = array<i64: 512, 1536>}, {pipeline_mode = #tpu.pipeline_mode<synchronous>, transform_indices = @transform_3, window_bounds = array<i64: 1, 1536>}, {pipeline_mode = #tpu.pipeline_mode<synchronous>, transform_indices = @transform_4, window_bounds = array<i64: 1, 512>}, {pipeline_mode = #tpu.pipeline_mode<synchronous>, transform_indices = @transform_5, window_bounds = array<i64: 1, 512>}, {transform_indices = @transform_6, window_bounds = array<i64: 1, 256, 512>}]} {
    %eq3A = arith.constant 0 : i32
    %eq3A_0 = arith.cmpi eq, %arg0, %eq3A : i32
    %convert_element_type3A = arith.extui %eq3A_0 : i1 to i32
    %cond3A = arith.constant 0 : i32
    %cond3A_1 = arith.cmpi ne, %convert_element_type3A, %cond3A : i32
    scf.if %cond3A_1 {
      %get3A_59 = arith.constant 0 : index
      %get3A_60 = arith.constant 0 : index
      %get3A_61 = vector.load %arg2[%get3A_59, %get3A_60] : memref<256x512xf32, #tpu.memory_space<vmem>>, vector<256x512xf32>
      %swap3A_62 = arith.constant 0 : index
      %swap3A_63 = arith.constant 0 : index
      %swap3A_64 = vector.load %arg8[%swap3A_62, %swap3A_63] : memref<256x512xf32, #tpu.memory_space<vmem>>, vector<256x512xf32>
      tpu.vector_store %arg8[%swap3A_62, %swap3A_63], %get3A_61 {strides = array<i32>} : memref<256x512xf32, #tpu.memory_space<vmem>>, vector<256x512xf32>,
    } else {
    }
    %get3A = arith.constant 0 : index
    %get3A_2 = arith.constant 0 : index
    %get3A_3 = vector.load %arg8[%get3A, %get3A_2] : memref<256x512xf32, #tpu.memory_space<vmem>>, vector<256x512xf32>
    %get3A_4 = arith.constant 0 : index
    %get3A_5 = arith.constant 0 : index
    %get3A_6 = vector.load %arg3[%get3A_4, %get3A_5] : memref<512x1536xf32, #tpu.memory_space<vmem>>, vector<512x1536xf32>
    %dot_general3A = arith.constant dense<0.000000e+00> : vector<256x1536xf32>
    %dot_general3A_7 = tpu.matmul %get3A_3, %get3A_6, %dot_general3A {dimension_numbers = #tpu.dot_dimension_numbers<[1], [0], [0], [1], [0, 0, 1, 1], [], []>, transpose_lhs_hint = false} : vector<256x512xf32>, vector<512x1536xf32>, vector<256x1536xf32> -> vector<256x1536xf32>
    %get3A_8 = arith.constant 0 : index
    %get3A_9 = arith.constant 0 : index
    %get3A_10 = vector.load %arg4[%get3A_8, %get3A_9] : memref<1x1536xf32, #tpu.memory_space<vmem>>, vector<1x1536xf32>
    %add3A = vector.broadcast %get3A_10 : vector<1x1536xf32> to vector<256x1536xf32>
    %add3A_11 = arith.addf %dot_general3A_7, %add3A : vector<256x1536xf32>
    %get3A_12 = arith.constant 0 : index
    %get3A_13 = arith.constant 0 : index
    %get3A_14 = arith.constant 0 : index
    %get3A_15 = vector.load %arg1[%get3A_12, %get3A_13, %get3A_14] : memref<1x256x1536xf32, #tpu.memory_space<vmem>>, vector<1x256x1536xf32>
    %get3A_16 = vector.shape_cast %get3A_15 : vector<1x256x1536xf32> to vector<256x1536xf32>
    %slice3A = vector.extract_strided_slice %get3A_16 {offsets = [0, 0], sizes = [256, 512], strides = [1, 1]} : vector<256x1536xf32> to vector<256x512xf32>
    %slice3A_17 = vector.extract_strided_slice %add3A_11 {offsets = [0, 0], sizes = [256, 512], strides = [1, 1]} : vector<256x1536xf32> to vector<256x512xf32>
    %add3A_18 = arith.addf %slice3A, %slice3A_17 : vector<256x512xf32>
    %logistic3A = arith.negf %add3A_18 : vector<256x512xf32>
    %logistic3A_19 = math.exp %logistic3A : vector<256x512xf32>
    %logistic3A_20 = arith.constant 1.000000e+00 : f32
    %logistic3A_21 = vector.broadcast %logistic3A_20 : f32 to vector<256x512xf32>
    %logistic3A_22 = arith.addf %logistic3A_21, %logistic3A_19 : vector<256x512xf32>
    %logistic3A_23 = arith.divf %logistic3A_21, %logistic3A_22 : vector<256x512xf32>
    %slice3A_24 = vector.extract_strided_slice %get3A_16 {offsets = [0, 512], sizes = [256, 512], strides = [1, 1]} : vector<256x1536xf32> to vector<256x512xf32>
    %slice3A_25 = vector.extract_strided_slice %add3A_11 {offsets = [0, 512], sizes = [256, 512], strides = [1, 1]} : vector<256x1536xf32> to vector<256x512xf32>
    %add3A_26 = arith.addf %slice3A_24, %slice3A_25 : vector<256x512xf32>
    %logistic3A_27 = arith.negf %add3A_26 : vector<256x512xf32>
    %logistic3A_28 = math.exp %logistic3A_27 : vector<256x512xf32>
    %logistic3A_29 = arith.constant 1.000000e+00 : f32
    %logistic3A_30 = vector.broadcast %logistic3A_29 : f32 to vector<256x512xf32>
    %logistic3A_31 = arith.addf %logistic3A_30, %logistic3A_28 : vector<256x512xf32>
    %logistic3A_32 = arith.divf %logistic3A_30, %logistic3A_31 : vector<256x512xf32>
    %slice3A_33 = vector.extract_strided_slice %get3A_16 {offsets = [0, 1024], sizes = [256, 512], strides = [1, 1]} : vector<256x1536xf32> to vector<256x512xf32>
    %slice3A_34 = vector.extract_strided_slice %add3A_11 {offsets = [0, 1024], sizes = [256, 512], strides = [1, 1]} : vector<256x1536xf32> to vector<256x512xf32>
    %mul3A = arith.mulf %logistic3A_23, %slice3A_34 : vector<256x512xf32>
    %add3A_35 = arith.addf %slice3A_33, %mul3A : vector<256x512xf32>
    %tanh3A = math.tanh %add3A_35 : vector<256x512xf32>
    %sub3A = arith.constant 1.000000e+00 : f32
    %sub3A_36 = vector.broadcast %sub3A : f32 to vector<256x512xf32>
    %sub3A_37 = arith.subf %sub3A_36, %logistic3A_32 : vector<256x512xf32>
    %mul3A_38 = arith.mulf %sub3A_37, %tanh3A : vector<256x512xf32>
    %mul3A_39 = arith.mulf %logistic3A_32, %get3A_3 : vector<256x512xf32>
    %add3A_40 = arith.addf %mul3A_38, %mul3A_39 : vector<256x512xf32>
    %swap3A = arith.constant 0 : index
    %swap3A_41 = arith.constant 0 : index
    %swap3A_42 = vector.load %arg8[%swap3A, %swap3A_41] : memref<256x512xf32, #tpu.memory_space<vmem>>, vector<256x512xf32>
    tpu.vector_store %arg8[%swap3A, %swap3A_41], %add3A_40 {strides = array<i32>} : memref<256x512xf32, #tpu.memory_space<vmem>>, vector<256x512xf32>,
    %get3A_43 = arith.constant 0 : index
    %get3A_44 = arith.constant 0 : index
    %get3A_45 = vector.load %arg5[%get3A_43, %get3A_44] : memref<1x512xf32, #tpu.memory_space<vmem>>, vector<1x512xf32>
    %mul3A_46 = vector.broadcast %get3A_45 : vector<1x512xf32> to vector<256x512xf32>
    %mul3A_47 = arith.mulf %mul3A_46, %add3A_40 : vector<256x512xf32>
    %get3A_48 = arith.constant 0 : index
    %get3A_49 = arith.constant 0 : index
    %get3A_50 = vector.load %arg6[%get3A_48, %get3A_49] : memref<1x512xf32, #tpu.memory_space<vmem>>, vector<1x512xf32>
    %add3A_51 = vector.broadcast %get3A_50 : vector<1x512xf32> to vector<256x512xf32>
    %add3A_52 = arith.addf %mul3A_47, %add3A_51 : vector<256x512xf32>
    %swap3A_53 = arith.constant 0 : index
    %swap3A_54 = arith.constant 0 : index
    %swap3A_55 = arith.constant 0 : index
    %swap3A_56 = vector.load %arg7[%swap3A_53, %swap3A_54, %swap3A_55] : memref<1x256x512xf32, #tpu.memory_space<vmem>>, vector<1x256x512xf32>
    %swap3A_57 = vector.shape_cast %swap3A_56 : vector<1x256x512xf32> to vector<256x512xf32>
    %swap3A_58 = vector.shape_cast %add3A_52 : vector<256x512xf32> to vector<1x256x512xf32>
    tpu.vector_store %arg7[%swap3A_53, %swap3A_54, %swap3A_55], %swap3A_58 {strides = array<i32>} : memref<1x256x512xf32, #tpu.memory_space<vmem>>, vector<1x256x512xf32>,
    return
  }
  func.func @transform_0(%arg0: i32) -> (i32, i32, i32) {
    %c0_i32 = arith.constant 0 : i32
    %c0_i32_0 = arith.constant 0 : i32
    %c0_i32_1 = arith.constant 0 : i32
    return %arg0, %c0_i32, %c0_i32_0 : i32, i32, i32
  }
  func.func @transform_1(%arg0: i32) -> (i32, i32) {
    %c0_i32 = arith.constant 0 : i32
    %c0_i32_0 = arith.constant 0 : i32
    %c0_i32_1 = arith.constant 0 : i32
    return %c0_i32, %c0_i32_0 : i32, i32
  }
  func.func @transform_2(%arg0: i32) -> (i32, i32) {
    %c0_i32 = arith.constant 0 : i32
    %c0_i32_0 = arith.constant 0 : i32
    %c0_i32_1 = arith.constant 0 : i32
    return %c0_i32, %c0_i32_0 : i32, i32
  }
  func.func @transform_3(%arg0: i32) -> (i32, i32) {
    %c0_i32 = arith.constant 0 : i32
    %c0_i32_0 = arith.constant 0 : i32
    %c0_i32_1 = arith.constant 0 : i32
    return %c0_i32, %c0_i32_0 : i32, i32
  }
  func.func @transform_4(%arg0: i32) -> (i32, i32) {
    %c0_i32 = arith.constant 0 : i32
    %c0_i32_0 = arith.constant 0 : i32
    %c0_i32_1 = arith.constant 0 : i32
    return %c0_i32, %c0_i32_0 : i32, i32
  }
  func.func @transform_5(%arg0: i32) -> (i32, i32) {
    %c0_i32 = arith.constant 0 : i32
    %c0_i32_0 = arith.constant 0 : i32
    %c0_i32_1 = arith.constant 0 : i32
    return %c0_i32, %c0_i32_0 : i32, i32
  }
  func.func @transform_6(%arg0: i32) -> (i32, i32, i32) {
    %c0_i32 = arith.constant 0 : i32
    %c0_i32_0 = arith.constant 0 : i32
    %c0_i32_1 = arith.constant 0 : i32
    return %arg0, %c0_i32, %c0_i32_0 : i32, i32, i32
  }
}

module attributes {stable_mosaic.version = 14 : i64} {
  func.func @_enc_scan_body(%arg0: i32, %arg1: memref<1x256x1536xf32, #tpu.memory_space<vmem>>, %arg2: memref<256x512xf32, #tpu.memory_space<vmem>>, %arg3: memref<512x1536xf32, #tpu.memory_space<vmem>>, %arg4: memref<1x1536xf32, #tpu.memory_space<vmem>>, %arg5: memref<1x512xf32, #tpu.memory_space<vmem>>, %arg6: memref<1x512xf32, #tpu.memory_space<vmem>>, %arg7: memref<1x256x512xf32, #tpu.memory_space<vmem>>, %arg8: memref<256x512xf32, #tpu.memory_space<vmem>>) attributes {dimension_semantics = [#tpu.dimension_semantics<arbitrary>], iteration_bounds = array<i64: 64>, scalar_prefetch = 0 : i64, scratch_operands = 1 : i64, tpu.core_type = #tpu.core_type<tc>, window_params = [{transform_indices = @transform_0, window_bounds = array<i64: 1, 256, 1536>}, {pipeline_mode = #tpu.pipeline_mode<synchronous>, transform_indices = @transform_1, window_bounds = array<i64: 256, 512>}, {pipeline_mode = #tpu.pipeline_mode<synchronous>, transform_indices = @transform_2, window_bounds = array<i64: 512, 1536>}, {pipeline_mode = #tpu.pipeline_mode<synchronous>, transform_indices = @transform_3, window_bounds = array<i64: 1, 1536>}, {pipeline_mode = #tpu.pipeline_mode<synchronous>, transform_indices = @transform_4, window_bounds = array<i64: 1, 512>}, {pipeline_mode = #tpu.pipeline_mode<synchronous>, transform_indices = @transform_5, window_bounds = array<i64: 1, 512>}, {transform_indices = @transform_6, window_bounds = array<i64: 1, 256, 512>}]} {
    %eq3A = arith.constant 0 : i32
    %eq3A_0 = arith.cmpi eq, %arg0, %eq3A : i32
    %convert_element_type3A = arith.extui %eq3A_0 : i1 to i32
    %cond3A = arith.constant 0 : i32
    %cond3A_1 = arith.cmpi ne, %convert_element_type3A, %cond3A : i32
    scf.if %cond3A_1 {
      %get3A_59 = arith.constant 0 : index
      %get3A_60 = arith.constant 0 : index
      %get3A_61 = vector.load %arg2[%get3A_59, %get3A_60] : memref<256x512xf32, #tpu.memory_space<vmem>>, vector<256x512xf32>
      %swap3A_62 = arith.constant 0 : index
      %swap3A_63 = arith.constant 0 : index
      %swap3A_64 = vector.load %arg8[%swap3A_62, %swap3A_63] : memref<256x512xf32, #tpu.memory_space<vmem>>, vector<256x512xf32>
      tpu.vector_store %arg8[%swap3A_62, %swap3A_63], %get3A_61 {strides = array<i32>} : memref<256x512xf32, #tpu.memory_space<vmem>>, vector<256x512xf32>,
    } else {
    }
    %get3A = arith.constant 0 : index
    %get3A_2 = arith.constant 0 : index
    %get3A_3 = vector.load %arg8[%get3A, %get3A_2] : memref<256x512xf32, #tpu.memory_space<vmem>>, vector<256x512xf32>
    %get3A_4 = arith.constant 0 : index
    %get3A_5 = arith.constant 0 : index
    %get3A_6 = vector.load %arg3[%get3A_4, %get3A_5] : memref<512x1536xf32, #tpu.memory_space<vmem>>, vector<512x1536xf32>
    %dot_general3A = arith.constant dense<0.000000e+00> : vector<256x1536xf32>
    %dot_general3A_7 = tpu.matmul %get3A_3, %get3A_6, %dot_general3A {dimension_numbers = #tpu.dot_dimension_numbers<[1], [0], [0], [1], [0, 0, 1, 1], [], []>, transpose_lhs_hint = false} : vector<256x512xf32>, vector<512x1536xf32>, vector<256x1536xf32> -> vector<256x1536xf32>
    %get3A_8 = arith.constant 0 : index
    %get3A_9 = arith.constant 0 : index
    %get3A_10 = vector.load %arg4[%get3A_8, %get3A_9] : memref<1x1536xf32, #tpu.memory_space<vmem>>, vector<1x1536xf32>
    %add3A = vector.broadcast %get3A_10 : vector<1x1536xf32> to vector<256x1536xf32>
    %add3A_11 = arith.addf %dot_general3A_7, %add3A : vector<256x1536xf32>
    %get3A_12 = arith.constant 0 : index
    %get3A_13 = arith.constant 0 : index
    %get3A_14 = arith.constant 0 : index
    %get3A_15 = vector.load %arg1[%get3A_12, %get3A_13, %get3A_14] : memref<1x256x1536xf32, #tpu.memory_space<vmem>>, vector<1x256x1536xf32>
    %get3A_16 = vector.shape_cast %get3A_15 : vector<1x256x1536xf32> to vector<256x1536xf32>
    %slice3A = vector.extract_strided_slice %get3A_16 {offsets = [0, 0], sizes = [256, 512], strides = [1, 1]} : vector<256x1536xf32> to vector<256x512xf32>
    %slice3A_17 = vector.extract_strided_slice %add3A_11 {offsets = [0, 0], sizes = [256, 512], strides = [1, 1]} : vector<256x1536xf32> to vector<256x512xf32>
    %add3A_18 = arith.addf %slice3A, %slice3A_17 : vector<256x512xf32>
    %logistic3A = arith.negf %add3A_18 : vector<256x512xf32>
    %logistic3A_19 = math.exp %logistic3A : vector<256x512xf32>
    %logistic3A_20 = arith.constant 1.000000e+00 : f32
    %logistic3A_21 = vector.broadcast %logistic3A_20 : f32 to vector<256x512xf32>
    %logistic3A_22 = arith.addf %logistic3A_21, %logistic3A_19 : vector<256x512xf32>
    %logistic3A_23 = arith.divf %logistic3A_21, %logistic3A_22 : vector<256x512xf32>
    %slice3A_24 = vector.extract_strided_slice %get3A_16 {offsets = [0, 512], sizes = [256, 512], strides = [1, 1]} : vector<256x1536xf32> to vector<256x512xf32>
    %slice3A_25 = vector.extract_strided_slice %add3A_11 {offsets = [0, 512], sizes = [256, 512], strides = [1, 1]} : vector<256x1536xf32> to vector<256x512xf32>
    %add3A_26 = arith.addf %slice3A_24, %slice3A_25 : vector<256x512xf32>
    %logistic3A_27 = arith.negf %add3A_26 : vector<256x512xf32>
    %logistic3A_28 = math.exp %logistic3A_27 : vector<256x512xf32>
    %logistic3A_29 = arith.constant 1.000000e+00 : f32
    %logistic3A_30 = vector.broadcast %logistic3A_29 : f32 to vector<256x512xf32>
    %logistic3A_31 = arith.addf %logistic3A_30, %logistic3A_28 : vector<256x512xf32>
    %logistic3A_32 = arith.divf %logistic3A_30, %logistic3A_31 : vector<256x512xf32>
    %slice3A_33 = vector.extract_strided_slice %get3A_16 {offsets = [0, 1024], sizes = [256, 512], strides = [1, 1]} : vector<256x1536xf32> to vector<256x512xf32>
    %slice3A_34 = vector.extract_strided_slice %add3A_11 {offsets = [0, 1024], sizes = [256, 512], strides = [1, 1]} : vector<256x1536xf32> to vector<256x512xf32>
    %mul3A = arith.mulf %logistic3A_23, %slice3A_34 : vector<256x512xf32>
    %add3A_35 = arith.addf %slice3A_33, %mul3A : vector<256x512xf32>
    %tanh3A = math.tanh %add3A_35 : vector<256x512xf32>
    %sub3A = arith.constant 1.000000e+00 : f32
    %sub3A_36 = vector.broadcast %sub3A : f32 to vector<256x512xf32>
    %sub3A_37 = arith.subf %sub3A_36, %logistic3A_32 : vector<256x512xf32>
    %mul3A_38 = arith.mulf %sub3A_37, %tanh3A : vector<256x512xf32>
    %mul3A_39 = arith.mulf %logistic3A_32, %get3A_3 : vector<256x512xf32>
    %add3A_40 = arith.addf %mul3A_38, %mul3A_39 : vector<256x512xf32>
    %swap3A = arith.constant 0 : index
    %swap3A_41 = arith.constant 0 : index
    %swap3A_42 = vector.load %arg8[%swap3A, %swap3A_41] : memref<256x512xf32, #tpu.memory_space<vmem>>, vector<256x512xf32>
    tpu.vector_store %arg8[%swap3A, %swap3A_41], %add3A_40 {strides = array<i32>} : memref<256x512xf32, #tpu.memory_space<vmem>>, vector<256x512xf32>,
    %get3A_43 = arith.constant 0 : index
    %get3A_44 = arith.constant 0 : index
    %get3A_45 = vector.load %arg5[%get3A_43, %get3A_44] : memref<1x512xf32, #tpu.memory_space<vmem>>, vector<1x512xf32>
    %mul3A_46 = vector.broadcast %get3A_45 : vector<1x512xf32> to vector<256x512xf32>
    %mul3A_47 = arith.mulf %mul3A_46, %add3A_40 : vector<256x512xf32>
    %get3A_48 = arith.constant 0 : index
    %get3A_49 = arith.constant 0 : index
    %get3A_50 = vector.load %arg6[%get3A_48, %get3A_49] : memref<1x512xf32, #tpu.memory_space<vmem>>, vector<1x512xf32>
    %add3A_51 = vector.broadcast %get3A_50 : vector<1x512xf32> to vector<256x512xf32>
    %add3A_52 = arith.addf %mul3A_47, %add3A_51 : vector<256x512xf32>
    %swap3A_53 = arith.constant 0 : index
    %swap3A_54 = arith.constant 0 : index
    %swap3A_55 = arith.constant 0 : index
    %swap3A_56 = vector.load %arg7[%swap3A_53, %swap3A_54, %swap3A_55] : memref<1x256x512xf32, #tpu.memory_space<vmem>>, vector<1x256x512xf32>
    %swap3A_57 = vector.shape_cast %swap3A_56 : vector<1x256x512xf32> to vector<256x512xf32>
    %swap3A_58 = vector.shape_cast %add3A_52 : vector<256x512xf32> to vector<1x256x512xf32>
    tpu.vector_store %arg7[%swap3A_53, %swap3A_54, %swap3A_55], %swap3A_58 {strides = array<i32>} : memref<1x256x512xf32, #tpu.memory_space<vmem>>, vector<1x256x512xf32>,
    return
  }
  func.func @transform_0(%arg0: i32) -> (i32, i32, i32) {
    %sub3A = arith.constant 63 : i32
    %sub3A_0 = arith.subi %sub3A, %arg0 : i32
    %c0_i32 = arith.constant 0 : i32
    %c0_i32_1 = arith.constant 0 : i32
    %c0_i32_2 = arith.constant 0 : i32
    return %sub3A_0, %c0_i32, %c0_i32_1 : i32, i32, i32
  }
  func.func @transform_1(%arg0: i32) -> (i32, i32) {
    %c0_i32 = arith.constant 0 : i32
    %c0_i32_0 = arith.constant 0 : i32
    %c0_i32_1 = arith.constant 0 : i32
    return %c0_i32, %c0_i32_0 : i32, i32
  }
  func.func @transform_2(%arg0: i32) -> (i32, i32) {
    %c0_i32 = arith.constant 0 : i32
    %c0_i32_0 = arith.constant 0 : i32
    %c0_i32_1 = arith.constant 0 : i32
    return %c0_i32, %c0_i32_0 : i32, i32
  }
  func.func @transform_3(%arg0: i32) -> (i32, i32) {
    %c0_i32 = arith.constant 0 : i32
    %c0_i32_0 = arith.constant 0 : i32
    %c0_i32_1 = arith.constant 0 : i32
    return %c0_i32, %c0_i32_0 : i32, i32
  }
  func.func @transform_4(%arg0: i32) -> (i32, i32) {
    %c0_i32 = arith.constant 0 : i32
    %c0_i32_0 = arith.constant 0 : i32
    %c0_i32_1 = arith.constant 0 : i32
    return %c0_i32, %c0_i32_0 : i32, i32
  }
  func.func @transform_5(%arg0: i32) -> (i32, i32) {
    %c0_i32 = arith.constant 0 : i32
    %c0_i32_0 = arith.constant 0 : i32
    %c0_i32_1 = arith.constant 0 : i32
    return %c0_i32, %c0_i32_0 : i32, i32
  }
  func.func @transform_6(%arg0: i32) -> (i32, i32, i32) {
    %sub3A = arith.constant 63 : i32
    %sub3A_0 = arith.subi %sub3A, %arg0 : i32
    %c0_i32 = arith.constant 0 : i32
    %c0_i32_1 = arith.constant 0 : i32
    %c0_i32_2 = arith.constant 0 : i32
    return %sub3A_0, %c0_i32, %c0_i32_1 : i32, i32, i32
  }
}

module attributes {stable_mosaic.version = 14 : i64} {
  func.func @_convf_body(%arg0: i32, %arg1: memref<1x256x512xf32, #tpu.memory_space<vmem>>, %arg2: memref<1x256x512xf32, #tpu.memory_space<vmem>>, %arg3: memref<1x256x512xf32, #tpu.memory_space<vmem>>, %arg4: memref<1x256x512xf32, #tpu.memory_space<vmem>>, %arg5: memref<1x256x512xf32, #tpu.memory_space<vmem>>, %arg6: memref<1x256x512xf32, #tpu.memory_space<vmem>>, %arg7: memref<1x256x512xf32, #tpu.memory_space<vmem>>, %arg8: memref<1x256x512xf32, #tpu.memory_space<vmem>>, %arg9: memref<4096x512xf32, #tpu.memory_space<vmem>>, %arg10: memref<1x512xf32, #tpu.memory_space<vmem>>, %arg11: memref<1x512xf32, #tpu.memory_space<vmem>>, %arg12: memref<1x256x512xf32, #tpu.memory_space<vmem>>) attributes {dimension_semantics = [#tpu.dimension_semantics<arbitrary>], iteration_bounds = array<i64: 32>, scalar_prefetch = 0 : i64, scratch_operands = 0 : i64, tpu.core_type = #tpu.core_type<tc>, window_params = [{transform_indices = @transform_0, window_bounds = array<i64: 1, 256, 512>}, {transform_indices = @transform_1, window_bounds = array<i64: 1, 256, 512>}, {transform_indices = @transform_2, window_bounds = array<i64: 1, 256, 512>}, {transform_indices = @transform_3, window_bounds = array<i64: 1, 256, 512>}, {transform_indices = @transform_4, window_bounds = array<i64: 1, 256, 512>}, {transform_indices = @transform_5, window_bounds = array<i64: 1, 256, 512>}, {transform_indices = @transform_6, window_bounds = array<i64: 1, 256, 512>}, {transform_indices = @transform_7, window_bounds = array<i64: 1, 256, 512>}, {pipeline_mode = #tpu.pipeline_mode<synchronous>, transform_indices = @transform_8, window_bounds = array<i64: 4096, 512>}, {pipeline_mode = #tpu.pipeline_mode<synchronous>, transform_indices = @transform_9, window_bounds = array<i64: 1, 512>}, {pipeline_mode = #tpu.pipeline_mode<synchronous>, transform_indices = @transform_10, window_bounds = array<i64: 1, 512>}, {transform_indices = @transform_11, window_bounds = array<i64: 1, 256, 512>}]} {
    %gt3A = arith.constant 0 : i32
    %gt3A_0 = arith.cmpi sgt, %arg0, %gt3A : i32
    %convert_element_type3A = arith.extui %gt3A_0 : i1 to i32
    %convert_element_type3A_1 = arith.sitofp %convert_element_type3A : i32 to f32
    %get3A = arith.constant 0 : index
    %get3A_2 = arith.constant 0 : index
    %get3A_3 = arith.constant 0 : index
    %get3A_4 = vector.load %arg1[%get3A, %get3A_2, %get3A_3] : memref<1x256x512xf32, #tpu.memory_space<vmem>>, vector<1x256x512xf32>
    %get3A_5 = vector.shape_cast %get3A_4 : vector<1x256x512xf32> to vector<256x512xf32>
    %mul3A = vector.broadcast %convert_element_type3A_1 : f32 to vector<256x512xf32>
    %mul3A_6 = arith.mulf %get3A_5, %mul3A : vector<256x512xf32>
    %get3A_7 = arith.constant 0 : index
    %get3A_8 = arith.constant 0 : index
    %get3A_9 = arith.constant 0 : index
    %get3A_10 = vector.load %arg2[%get3A_7, %get3A_8, %get3A_9] : memref<1x256x512xf32, #tpu.memory_space<vmem>>, vector<1x256x512xf32>
    %get3A_11 = vector.shape_cast %get3A_10 : vector<1x256x512xf32> to vector<256x512xf32>
    %mul3A_12 = vector.broadcast %convert_element_type3A_1 : f32 to vector<256x512xf32>
    %mul3A_13 = arith.mulf %get3A_11, %mul3A_12 : vector<256x512xf32>
    %get3A_14 = arith.constant 0 : index
    %get3A_15 = arith.constant 0 : index
    %get3A_16 = arith.constant 0 : index
    %get3A_17 = vector.load %arg3[%get3A_14, %get3A_15, %get3A_16] : memref<1x256x512xf32, #tpu.memory_space<vmem>>, vector<1x256x512xf32>
    %get3A_18 = vector.shape_cast %get3A_17 : vector<1x256x512xf32> to vector<256x512xf32>
    %get3A_19 = arith.constant 0 : index
    %get3A_20 = arith.constant 0 : index
    %get3A_21 = arith.constant 0 : index
    %get3A_22 = vector.load %arg4[%get3A_19, %get3A_20, %get3A_21] : memref<1x256x512xf32, #tpu.memory_space<vmem>>, vector<1x256x512xf32>
    %get3A_23 = vector.shape_cast %get3A_22 : vector<1x256x512xf32> to vector<256x512xf32>
    %get3A_24 = arith.constant 0 : index
    %get3A_25 = arith.constant 0 : index
    %get3A_26 = arith.constant 0 : index
    %get3A_27 = vector.load %arg5[%get3A_24, %get3A_25, %get3A_26] : memref<1x256x512xf32, #tpu.memory_space<vmem>>, vector<1x256x512xf32>
    %get3A_28 = vector.shape_cast %get3A_27 : vector<1x256x512xf32> to vector<256x512xf32>
    %get3A_29 = arith.constant 0 : index
    %get3A_30 = arith.constant 0 : index
    %get3A_31 = arith.constant 0 : index
    %get3A_32 = vector.load %arg6[%get3A_29, %get3A_30, %get3A_31] : memref<1x256x512xf32, #tpu.memory_space<vmem>>, vector<1x256x512xf32>
    %get3A_33 = vector.shape_cast %get3A_32 : vector<1x256x512xf32> to vector<256x512xf32>
    %mul3A_34 = arith.constant 2 : i32
    %mul3A_35 = arith.muli %mul3A_34, %arg0 : i32
    %add3A = arith.constant 2 : i32
    %add3A_36 = arith.addi %mul3A_35, %add3A : i32
    %lt3A = arith.constant 64 : i32
    %lt3A_37 = arith.cmpi slt, %add3A_36, %lt3A : i32
    %convert_element_type3A_38 = arith.extui %lt3A_37 : i1 to i32
    %convert_element_type3A_39 = arith.sitofp %convert_element_type3A_38 : i32 to f32
    %get3A_40 = arith.constant 0 : index
    %get3A_41 = arith.constant 0 : index
    %get3A_42 = arith.constant 0 : index
    %get3A_43 = vector.load %arg7[%get3A_40, %get3A_41, %get3A_42] : memref<1x256x512xf32, #tpu.memory_space<vmem>>, vector<1x256x512xf32>
    %get3A_44 = vector.shape_cast %get3A_43 : vector<1x256x512xf32> to vector<256x512xf32>
    %mul3A_45 = vector.broadcast %convert_element_type3A_39 : f32 to vector<256x512xf32>
    %mul3A_46 = arith.mulf %get3A_44, %mul3A_45 : vector<256x512xf32>
    %get3A_47 = arith.constant 0 : index
    %get3A_48 = arith.constant 0 : index
    %get3A_49 = arith.constant 0 : index
    %get3A_50 = vector.load %arg8[%get3A_47, %get3A_48, %get3A_49] : memref<1x256x512xf32, #tpu.memory_space<vmem>>, vector<1x256x512xf32>
    %get3A_51 = vector.shape_cast %get3A_50 : vector<1x256x512xf32> to vector<256x512xf32>
    %mul3A_52 = vector.broadcast %convert_element_type3A_39 : f32 to vector<256x512xf32>
    %mul3A_53 = arith.mulf %get3A_51, %mul3A_52 : vector<256x512xf32>
    %concatenate3A = tpu.concatenate %mul3A_6, %mul3A_13, %get3A_18, %get3A_23, %get3A_28, %get3A_33, %mul3A_46, %mul3A_53 in 1 : vector<256x512xf32>, vector<256x512xf32>, vector<256x512xf32>, vector<256x512xf32>, vector<256x512xf32>, vector<256x512xf32>, vector<256x512xf32>, vector<256x512xf32> -> vector<256x4096xf32>
    %get3A_54 = arith.constant 0 : index
    %get3A_55 = arith.constant 0 : index
    %get3A_56 = vector.load %arg9[%get3A_54, %get3A_55] : memref<4096x512xf32, #tpu.memory_space<vmem>>, vector<4096x512xf32>
    %dot_general3A = arith.constant dense<0.000000e+00> : vector<256x512xf32>
    %dot_general3A_57 = tpu.matmul %concatenate3A, %get3A_56, %dot_general3A {dimension_numbers = #tpu.dot_dimension_numbers<[1], [0], [0], [1], [0, 0, 1, 1], [], []>, transpose_lhs_hint = false} : vector<256x4096xf32>, vector<4096x512xf32>, vector<256x512xf32> -> vector<256x512xf32>
    %get3A_58 = arith.constant 0 : index
    %get3A_59 = arith.constant 0 : index
    %get3A_60 = vector.load %arg10[%get3A_58, %get3A_59] : memref<1x512xf32, #tpu.memory_space<vmem>>, vector<1x512xf32>
    %mul3A_61 = vector.broadcast %get3A_60 : vector<1x512xf32> to vector<256x512xf32>
    %mul3A_62 = arith.mulf %dot_general3A_57, %mul3A_61 : vector<256x512xf32>
    %get3A_63 = arith.constant 0 : index
    %get3A_64 = arith.constant 0 : index
    %get3A_65 = vector.load %arg11[%get3A_63, %get3A_64] : memref<1x512xf32, #tpu.memory_space<vmem>>, vector<1x512xf32>
    %add3A_66 = vector.broadcast %get3A_65 : vector<1x512xf32> to vector<256x512xf32>
    %add3A_67 = arith.addf %mul3A_62, %add3A_66 : vector<256x512xf32>
    %ge3A = arith.constant 0.000000e+00 : f32
    %ge3A_68 = vector.broadcast %ge3A : f32 to vector<256x512xf32>
    %ge3A_69 = arith.cmpf oge, %add3A_67, %ge3A_68 : vector<256x512xf32>
    %mul3A_70 = arith.constant 2.000000e-01 : f32
    %mul3A_71 = vector.broadcast %mul3A_70 : f32 to vector<256x512xf32>
    %mul3A_72 = arith.mulf %mul3A_71, %add3A_67 : vector<256x512xf32>
    %select_n3A = arith.select %ge3A_69, %add3A_67, %mul3A_72 : vector<256x512xi1>, vector<256x512xf32>
    %swap3A = arith.constant 0 : index
    %swap3A_73 = arith.constant 0 : index
    %swap3A_74 = arith.constant 0 : index
    %swap3A_75 = vector.load %arg12[%swap3A, %swap3A_73, %swap3A_74] : memref<1x256x512xf32, #tpu.memory_space<vmem>>, vector<1x256x512xf32>
    %swap3A_76 = vector.shape_cast %swap3A_75 : vector<1x256x512xf32> to vector<256x512xf32>
    %swap3A_77 = vector.shape_cast %select_n3A : vector<256x512xf32> to vector<1x256x512xf32>
    tpu.vector_store %arg12[%swap3A, %swap3A_73, %swap3A_74], %swap3A_77 {strides = array<i32>} : memref<1x256x512xf32, #tpu.memory_space<vmem>>, vector<1x256x512xf32>,
    return
  }
  func.func @transform_0(%arg0: i32) -> (i32, i32, i32) {
    %mul3A = arith.constant 2 : i32
    %mul3A_0 = arith.muli %mul3A, %arg0 : i32
    %add3A = arith.constant 0 : i32
    %add3A_1 = arith.addi %mul3A_0, %add3A : i32
    %sub3A = arith.constant 1 : i32
    %sub3A_2 = arith.subi %add3A_1, %sub3A : i32
    %jit3A = arith.constant 0 : i32
    %jit3A_3 = arith.constant 63 : i32
    %max3A = arith.maxsi %jit3A, %sub3A_2 : i32
    %min3A = arith.minsi %jit3A_3, %max3A : i32
    %c0_i32 = arith.constant 0 : i32
    %c0_i32_4 = arith.constant 0 : i32
    %c0_i32_5 = arith.constant 0 : i32
    return %min3A, %c0_i32, %c0_i32_4 : i32, i32, i32
  }
  func.func @transform_1(%arg0: i32) -> (i32, i32, i32) {
    %mul3A = arith.constant 2 : i32
    %mul3A_0 = arith.muli %mul3A, %arg0 : i32
    %add3A = arith.constant 0 : i32
    %add3A_1 = arith.addi %mul3A_0, %add3A : i32
    %sub3A = arith.constant 1 : i32
    %sub3A_2 = arith.subi %add3A_1, %sub3A : i32
    %jit3A = arith.constant 0 : i32
    %jit3A_3 = arith.constant 63 : i32
    %max3A = arith.maxsi %jit3A, %sub3A_2 : i32
    %min3A = arith.minsi %jit3A_3, %max3A : i32
    %c0_i32 = arith.constant 0 : i32
    %c0_i32_4 = arith.constant 0 : i32
    %c0_i32_5 = arith.constant 0 : i32
    return %min3A, %c0_i32, %c0_i32_4 : i32, i32, i32
  }
  func.func @transform_2(%arg0: i32) -> (i32, i32, i32) {
    %mul3A = arith.constant 2 : i32
    %mul3A_0 = arith.muli %mul3A, %arg0 : i32
    %add3A = arith.constant 1 : i32
    %add3A_1 = arith.addi %mul3A_0, %add3A : i32
    %sub3A = arith.constant 1 : i32
    %sub3A_2 = arith.subi %add3A_1, %sub3A : i32
    %jit3A = arith.constant 0 : i32
    %jit3A_3 = arith.constant 63 : i32
    %max3A = arith.maxsi %jit3A, %sub3A_2 : i32
    %min3A = arith.minsi %jit3A_3, %max3A : i32
    %c0_i32 = arith.constant 0 : i32
    %c0_i32_4 = arith.constant 0 : i32
    %c0_i32_5 = arith.constant 0 : i32
    return %min3A, %c0_i32, %c0_i32_4 : i32, i32, i32
  }
  func.func @transform_3(%arg0: i32) -> (i32, i32, i32) {
    %mul3A = arith.constant 2 : i32
    %mul3A_0 = arith.muli %mul3A, %arg0 : i32
    %add3A = arith.constant 1 : i32
    %add3A_1 = arith.addi %mul3A_0, %add3A : i32
    %sub3A = arith.constant 1 : i32
    %sub3A_2 = arith.subi %add3A_1, %sub3A : i32
    %jit3A = arith.constant 0 : i32
    %jit3A_3 = arith.constant 63 : i32
    %max3A = arith.maxsi %jit3A, %sub3A_2 : i32
    %min3A = arith.minsi %jit3A_3, %max3A : i32
    %c0_i32 = arith.constant 0 : i32
    %c0_i32_4 = arith.constant 0 : i32
    %c0_i32_5 = arith.constant 0 : i32
    return %min3A, %c0_i32, %c0_i32_4 : i32, i32, i32
  }
  func.func @transform_4(%arg0: i32) -> (i32, i32, i32) {
    %mul3A = arith.constant 2 : i32
    %mul3A_0 = arith.muli %mul3A, %arg0 : i32
    %add3A = arith.constant 2 : i32
    %add3A_1 = arith.addi %mul3A_0, %add3A : i32
    %sub3A = arith.constant 1 : i32
    %sub3A_2 = arith.subi %add3A_1, %sub3A : i32
    %jit3A = arith.constant 0 : i32
    %jit3A_3 = arith.constant 63 : i32
    %max3A = arith.maxsi %jit3A, %sub3A_2 : i32
    %min3A = arith.minsi %jit3A_3, %max3A : i32
    %c0_i32 = arith.constant 0 : i32
    %c0_i32_4 = arith.constant 0 : i32
    %c0_i32_5 = arith.constant 0 : i32
    return %min3A, %c0_i32, %c0_i32_4 : i32, i32, i32
  }
  func.func @transform_5(%arg0: i32) -> (i32, i32, i32) {
    %mul3A = arith.constant 2 : i32
    %mul3A_0 = arith.muli %mul3A, %arg0 : i32
    %add3A = arith.constant 2 : i32
    %add3A_1 = arith.addi %mul3A_0, %add3A : i32
    %sub3A = arith.constant 1 : i32
    %sub3A_2 = arith.subi %add3A_1, %sub3A : i32
    %jit3A = arith.constant 0 : i32
    %jit3A_3 = arith.constant 63 : i32
    %max3A = arith.maxsi %jit3A, %sub3A_2 : i32
    %min3A = arith.minsi %jit3A_3, %max3A : i32
    %c0_i32 = arith.constant 0 : i32
    %c0_i32_4 = arith.constant 0 : i32
    %c0_i32_5 = arith.constant 0 : i32
    return %min3A, %c0_i32, %c0_i32_4 : i32, i32, i32
  }
  func.func @transform_6(%arg0: i32) -> (i32, i32, i32) {
    %mul3A = arith.constant 2 : i32
    %mul3A_0 = arith.muli %mul3A, %arg0 : i32
    %add3A = arith.constant 3 : i32
    %add3A_1 = arith.addi %mul3A_0, %add3A : i32
    %sub3A = arith.constant 1 : i32
    %sub3A_2 = arith.subi %add3A_1, %sub3A : i32
    %jit3A = arith.constant 0 : i32
    %jit3A_3 = arith.constant 63 : i32
    %max3A = arith.maxsi %jit3A, %sub3A_2 : i32
    %min3A = arith.minsi %jit3A_3, %max3A : i32
    %c0_i32 = arith.constant 0 : i32
    %c0_i32_4 = arith.constant 0 : i32
    %c0_i32_5 = arith.constant 0 : i32
    return %min3A, %c0_i32, %c0_i32_4 : i32, i32, i32
  }
  func.func @transform_7(%arg0: i32) -> (i32, i32, i32) {
    %mul3A = arith.constant 2 : i32
    %mul3A_0 = arith.muli %mul3A, %arg0 : i32
    %add3A = arith.constant 3 : i32
    %add3A_1 = arith.addi %mul3A_0, %add3A : i32
    %sub3A = arith.constant 1 : i32
    %sub3A_2 = arith.subi %add3A_1, %sub3A : i32
    %jit3A = arith.constant 0 : i32
    %jit3A_3 = arith.constant 63 : i32
    %max3A = arith.maxsi %jit3A, %sub3A_2 : i32
    %min3A = arith.minsi %jit3A_3, %max3A : i32
    %c0_i32 = arith.constant 0 : i32
    %c0_i32_4 = arith.constant 0 : i32
    %c0_i32_5 = arith.constant 0 : i32
    return %min3A, %c0_i32, %c0_i32_4 : i32, i32, i32
  }
  func.func @transform_8(%arg0: i32) -> (i32, i32) {
    %c0_i32 = arith.constant 0 : i32
    %c0_i32_0 = arith.constant 0 : i32
    %c0_i32_1 = arith.constant 0 : i32
    return %c0_i32, %c0_i32_0 : i32, i32
  }
  func.func @transform_9(%arg0: i32) -> (i32, i32) {
    %c0_i32 = arith.constant 0 : i32
    %c0_i32_0 = arith.constant 0 : i32
    %c0_i32_1 = arith.constant 0 : i32
    return %c0_i32, %c0_i32_0 : i32, i32
  }
  func.func @transform_10(%arg0: i32) -> (i32, i32) {
    %c0_i32 = arith.constant 0 : i32
    %c0_i32_0 = arith.constant 0 : i32
    %c0_i32_1 = arith.constant 0 : i32
    return %c0_i32, %c0_i32_0 : i32, i32
  }
  func.func @transform_11(%arg0: i32) -> (i32, i32, i32) {
    %c0_i32 = arith.constant 0 : i32
    %c0_i32_0 = arith.constant 0 : i32
    %c0_i32_1 = arith.constant 0 : i32
    return %arg0, %c0_i32, %c0_i32_0 : i32, i32, i32
  }
}

module attributes {stable_mosaic.version = 14 : i64} {
  func.func @_convf_body(%arg0: i32, %arg1: memref<1x256x512xf32, #tpu.memory_space<vmem>>, %arg2: memref<1x256x512xf32, #tpu.memory_space<vmem>>, %arg3: memref<1x256x512xf32, #tpu.memory_space<vmem>>, %arg4: memref<1x256x512xf32, #tpu.memory_space<vmem>>, %arg5: memref<2048x512xf32, #tpu.memory_space<vmem>>, %arg6: memref<1x512xf32, #tpu.memory_space<vmem>>, %arg7: memref<1x512xf32, #tpu.memory_space<vmem>>, %arg8: memref<1x256x512xf32, #tpu.memory_space<vmem>>) attributes {dimension_semantics = [#tpu.dimension_semantics<arbitrary>], iteration_bounds = array<i64: 16>, scalar_prefetch = 0 : i64, scratch_operands = 0 : i64, tpu.core_type = #tpu.core_type<tc>, window_params = [{transform_indices = @transform_0, window_bounds = array<i64: 1, 256, 512>}, {transform_indices = @transform_1, window_bounds = array<i64: 1, 256, 512>}, {transform_indices = @transform_2, window_bounds = array<i64: 1, 256, 512>}, {transform_indices = @transform_3, window_bounds = array<i64: 1, 256, 512>}, {pipeline_mode = #tpu.pipeline_mode<synchronous>, transform_indices = @transform_4, window_bounds = array<i64: 2048, 512>}, {pipeline_mode = #tpu.pipeline_mode<synchronous>, transform_indices = @transform_5, window_bounds = array<i64: 1, 512>}, {pipeline_mode = #tpu.pipeline_mode<synchronous>, transform_indices = @transform_6, window_bounds = array<i64: 1, 512>}, {transform_indices = @transform_7, window_bounds = array<i64: 1, 256, 512>}]} {
    %gt3A = arith.constant 0 : i32
    %gt3A_0 = arith.cmpi sgt, %arg0, %gt3A : i32
    %convert_element_type3A = arith.extui %gt3A_0 : i1 to i32
    %convert_element_type3A_1 = arith.sitofp %convert_element_type3A : i32 to f32
    %get3A = arith.constant 0 : index
    %get3A_2 = arith.constant 0 : index
    %get3A_3 = arith.constant 0 : index
    %get3A_4 = vector.load %arg1[%get3A, %get3A_2, %get3A_3] : memref<1x256x512xf32, #tpu.memory_space<vmem>>, vector<1x256x512xf32>
    %get3A_5 = vector.shape_cast %get3A_4 : vector<1x256x512xf32> to vector<256x512xf32>
    %mul3A = vector.broadcast %convert_element_type3A_1 : f32 to vector<256x512xf32>
    %mul3A_6 = arith.mulf %get3A_5, %mul3A : vector<256x512xf32>
    %get3A_7 = arith.constant 0 : index
    %get3A_8 = arith.constant 0 : index
    %get3A_9 = arith.constant 0 : index
    %get3A_10 = vector.load %arg2[%get3A_7, %get3A_8, %get3A_9] : memref<1x256x512xf32, #tpu.memory_space<vmem>>, vector<1x256x512xf32>
    %get3A_11 = vector.shape_cast %get3A_10 : vector<1x256x512xf32> to vector<256x512xf32>
    %get3A_12 = arith.constant 0 : index
    %get3A_13 = arith.constant 0 : index
    %get3A_14 = arith.constant 0 : index
    %get3A_15 = vector.load %arg3[%get3A_12, %get3A_13, %get3A_14] : memref<1x256x512xf32, #tpu.memory_space<vmem>>, vector<1x256x512xf32>
    %get3A_16 = vector.shape_cast %get3A_15 : vector<1x256x512xf32> to vector<256x512xf32>
    %mul3A_17 = arith.constant 2 : i32
    %mul3A_18 = arith.muli %mul3A_17, %arg0 : i32
    %add3A = arith.constant 2 : i32
    %add3A_19 = arith.addi %mul3A_18, %add3A : i32
    %lt3A = arith.constant 32 : i32
    %lt3A_20 = arith.cmpi slt, %add3A_19, %lt3A : i32
    %convert_element_type3A_21 = arith.extui %lt3A_20 : i1 to i32
    %convert_element_type3A_22 = arith.sitofp %convert_element_type3A_21 : i32 to f32
    %get3A_23 = arith.constant 0 : index
    %get3A_24 = arith.constant 0 : index
    %get3A_25 = arith.constant 0 : index
    %get3A_26 = vector.load %arg4[%get3A_23, %get3A_24, %get3A_25] : memref<1x256x512xf32, #tpu.memory_space<vmem>>, vector<1x256x512xf32>
    %get3A_27 = vector.shape_cast %get3A_26 : vector<1x256x512xf32> to vector<256x512xf32>
    %mul3A_28 = vector.broadcast %convert_element_type3A_22 : f32 to vector<256x512xf32>
    %mul3A_29 = arith.mulf %get3A_27, %mul3A_28 : vector<256x512xf32>
    %concatenate3A = tpu.concatenate %mul3A_6, %get3A_11, %get3A_16, %mul3A_29 in 1 : vector<256x512xf32>, vector<256x512xf32>, vector<256x512xf32>, vector<256x512xf32> -> vector<256x2048xf32>
    %get3A_30 = arith.constant 0 : index
    %get3A_31 = arith.constant 0 : index
    %get3A_32 = vector.load %arg5[%get3A_30, %get3A_31] : memref<2048x512xf32, #tpu.memory_space<vmem>>, vector<2048x512xf32>
    %dot_general3A = arith.constant dense<0.000000e+00> : vector<256x512xf32>
    %dot_general3A_33 = tpu.matmul %concatenate3A, %get3A_32, %dot_general3A {dimension_numbers = #tpu.dot_dimension_numbers<[1], [0], [0], [1], [0, 0, 1, 1], [], []>, transpose_lhs_hint = false} : vector<256x2048xf32>, vector<2048x512xf32>, vector<256x512xf32> -> vector<256x512xf32>
    %get3A_34 = arith.constant 0 : index
    %get3A_35 = arith.constant 0 : index
    %get3A_36 = vector.load %arg6[%get3A_34, %get3A_35] : memref<1x512xf32, #tpu.memory_space<vmem>>, vector<1x512xf32>
    %mul3A_37 = vector.broadcast %get3A_36 : vector<1x512xf32> to vector<256x512xf32>
    %mul3A_38 = arith.mulf %dot_general3A_33, %mul3A_37 : vector<256x512xf32>
    %get3A_39 = arith.constant 0 : index
    %get3A_40 = arith.constant 0 : index
    %get3A_41 = vector.load %arg7[%get3A_39, %get3A_40] : memref<1x512xf32, #tpu.memory_space<vmem>>, vector<1x512xf32>
    %add3A_42 = vector.broadcast %get3A_41 : vector<1x512xf32> to vector<256x512xf32>
    %add3A_43 = arith.addf %mul3A_38, %add3A_42 : vector<256x512xf32>
    %ge3A = arith.constant 0.000000e+00 : f32
    %ge3A_44 = vector.broadcast %ge3A : f32 to vector<256x512xf32>
    %ge3A_45 = arith.cmpf oge, %add3A_43, %ge3A_44 : vector<256x512xf32>
    %mul3A_46 = arith.constant 2.000000e-01 : f32
    %mul3A_47 = vector.broadcast %mul3A_46 : f32 to vector<256x512xf32>
    %mul3A_48 = arith.mulf %mul3A_47, %add3A_43 : vector<256x512xf32>
    %select_n3A = arith.select %ge3A_45, %add3A_43, %mul3A_48 : vector<256x512xi1>, vector<256x512xf32>
    %swap3A = arith.constant 0 : index
    %swap3A_49 = arith.constant 0 : index
    %swap3A_50 = arith.constant 0 : index
    %swap3A_51 = vector.load %arg8[%swap3A, %swap3A_49, %swap3A_50] : memref<1x256x512xf32, #tpu.memory_space<vmem>>, vector<1x256x512xf32>
    %swap3A_52 = vector.shape_cast %swap3A_51 : vector<1x256x512xf32> to vector<256x512xf32>
    %swap3A_53 = vector.shape_cast %select_n3A : vector<256x512xf32> to vector<1x256x512xf32>
    tpu.vector_store %arg8[%swap3A, %swap3A_49, %swap3A_50], %swap3A_53 {strides = array<i32>} : memref<1x256x512xf32, #tpu.memory_space<vmem>>, vector<1x256x512xf32>,
    return
  }
  func.func @transform_0(%arg0: i32) -> (i32, i32, i32) {
    %mul3A = arith.constant 2 : i32
    %mul3A_0 = arith.muli %mul3A, %arg0 : i32
    %add3A = arith.constant 0 : i32
    %add3A_1 = arith.addi %mul3A_0, %add3A : i32
    %sub3A = arith.constant 1 : i32
    %sub3A_2 = arith.subi %add3A_1, %sub3A : i32
    %jit3A = arith.constant 0 : i32
    %jit3A_3 = arith.constant 31 : i32
    %max3A = arith.maxsi %jit3A, %sub3A_2 : i32
    %min3A = arith.minsi %jit3A_3, %max3A : i32
    %c0_i32 = arith.constant 0 : i32
    %c0_i32_4 = arith.constant 0 : i32
    %c0_i32_5 = arith.constant 0 : i32
    return %min3A, %c0_i32, %c0_i32_4 : i32, i32, i32
  }
  func.func @transform_1(%arg0: i32) -> (i32, i32, i32) {
    %mul3A = arith.constant 2 : i32
    %mul3A_0 = arith.muli %mul3A, %arg0 : i32
    %add3A = arith.constant 1 : i32
    %add3A_1 = arith.addi %mul3A_0, %add3A : i32
    %sub3A = arith.constant 1 : i32
    %sub3A_2 = arith.subi %add3A_1, %sub3A : i32
    %jit3A = arith.constant 0 : i32
    %jit3A_3 = arith.constant 31 : i32
    %max3A = arith.maxsi %jit3A, %sub3A_2 : i32
    %min3A = arith.minsi %jit3A_3, %max3A : i32
    %c0_i32 = arith.constant 0 : i32
    %c0_i32_4 = arith.constant 0 : i32
    %c0_i32_5 = arith.constant 0 : i32
    return %min3A, %c0_i32, %c0_i32_4 : i32, i32, i32
  }
  func.func @transform_2(%arg0: i32) -> (i32, i32, i32) {
    %mul3A = arith.constant 2 : i32
    %mul3A_0 = arith.muli %mul3A, %arg0 : i32
    %add3A = arith.constant 2 : i32
    %add3A_1 = arith.addi %mul3A_0, %add3A : i32
    %sub3A = arith.constant 1 : i32
    %sub3A_2 = arith.subi %add3A_1, %sub3A : i32
    %jit3A = arith.constant 0 : i32
    %jit3A_3 = arith.constant 31 : i32
    %max3A = arith.maxsi %jit3A, %sub3A_2 : i32
    %min3A = arith.minsi %jit3A_3, %max3A : i32
    %c0_i32 = arith.constant 0 : i32
    %c0_i32_4 = arith.constant 0 : i32
    %c0_i32_5 = arith.constant 0 : i32
    return %min3A, %c0_i32, %c0_i32_4 : i32, i32, i32
  }
  func.func @transform_3(%arg0: i32) -> (i32, i32, i32) {
    %mul3A = arith.constant 2 : i32
    %mul3A_0 = arith.muli %mul3A, %arg0 : i32
    %add3A = arith.constant 3 : i32
    %add3A_1 = arith.addi %mul3A_0, %add3A : i32
    %sub3A = arith.constant 1 : i32
    %sub3A_2 = arith.subi %add3A_1, %sub3A : i32
    %jit3A = arith.constant 0 : i32
    %jit3A_3 = arith.constant 31 : i32
    %max3A = arith.maxsi %jit3A, %sub3A_2 : i32
    %min3A = arith.minsi %jit3A_3, %max3A : i32
    %c0_i32 = arith.constant 0 : i32
    %c0_i32_4 = arith.constant 0 : i32
    %c0_i32_5 = arith.constant 0 : i32
    return %min3A, %c0_i32, %c0_i32_4 : i32, i32, i32
  }
  func.func @transform_4(%arg0: i32) -> (i32, i32) {
    %c0_i32 = arith.constant 0 : i32
    %c0_i32_0 = arith.constant 0 : i32
    %c0_i32_1 = arith.constant 0 : i32
    return %c0_i32, %c0_i32_0 : i32, i32
  }
  func.func @transform_5(%arg0: i32) -> (i32, i32) {
    %c0_i32 = arith.constant 0 : i32
    %c0_i32_0 = arith.constant 0 : i32
    %c0_i32_1 = arith.constant 0 : i32
    return %c0_i32, %c0_i32_0 : i32, i32
  }
  func.func @transform_6(%arg0: i32) -> (i32, i32) {
    %c0_i32 = arith.constant 0 : i32
    %c0_i32_0 = arith.constant 0 : i32
    %c0_i32_1 = arith.constant 0 : i32
    return %c0_i32, %c0_i32_0 : i32, i32
  }
  func.func @transform_7(%arg0: i32) -> (i32, i32, i32) {
    %c0_i32 = arith.constant 0 : i32
    %c0_i32_0 = arith.constant 0 : i32
    %c0_i32_1 = arith.constant 0 : i32
    return %arg0, %c0_i32, %c0_i32_0 : i32, i32, i32
  }
}

module attributes {stable_mosaic.version = 14 : i64} {
  func.func @_mm_body(%arg0: i32, %arg1: memref<256x512xf32, #tpu.memory_space<vmem>>, %arg2: memref<512x64xf32, #tpu.memory_space<vmem>>, %arg3: memref<1x64xf32, #tpu.memory_space<vmem>>, %arg4: memref<1x64xf32, #tpu.memory_space<vmem>>, %arg5: memref<256x64xf32, #tpu.memory_space<vmem>>) attributes {dimension_semantics = [#tpu.dimension_semantics<arbitrary>], iteration_bounds = array<i64: 16>, scalar_prefetch = 0 : i64, scratch_operands = 0 : i64, tpu.core_type = #tpu.core_type<tc>, window_params = [{transform_indices = @transform_0, window_bounds = array<i64: 256, 512>}, {pipeline_mode = #tpu.pipeline_mode<synchronous>, transform_indices = @transform_1, window_bounds = array<i64: 512, 64>}, {pipeline_mode = #tpu.pipeline_mode<synchronous>, transform_indices = @transform_2, window_bounds = array<i64: 1, 64>}, {pipeline_mode = #tpu.pipeline_mode<synchronous>, transform_indices = @transform_3, window_bounds = array<i64: 1, 64>}, {transform_indices = @transform_4, window_bounds = array<i64: 256, 64>}]} {
    %get3A = arith.constant 0 : index
    %get3A_0 = arith.constant 0 : index
    %get3A_1 = vector.load %arg1[%get3A, %get3A_0] : memref<256x512xf32, #tpu.memory_space<vmem>>, vector<256x512xf32>
    %get3A_2 = arith.constant 0 : index
    %get3A_3 = arith.constant 0 : index
    %get3A_4 = vector.load %arg2[%get3A_2, %get3A_3] : memref<512x64xf32, #tpu.memory_space<vmem>>, vector<512x64xf32>
    %dot_general3A = arith.constant dense<0.000000e+00> : vector<256x64xf32>
    %dot_general3A_5 = tpu.matmul %get3A_1, %get3A_4, %dot_general3A {dimension_numbers = #tpu.dot_dimension_numbers<[1], [0], [0], [1], [0, 0, 1, 1], [], []>, transpose_lhs_hint = false} : vector<256x512xf32>, vector<512x64xf32>, vector<256x64xf32> -> vector<256x64xf32>
    %get3A_6 = arith.constant 0 : index
    %get3A_7 = arith.constant 0 : index
    %get3A_8 = vector.load %arg3[%get3A_6, %get3A_7] : memref<1x64xf32, #tpu.memory_space<vmem>>, vector<1x64xf32>
    %mul3A = vector.broadcast %get3A_8 : vector<1x64xf32> to vector<256x64xf32>
    %mul3A_9 = arith.mulf %dot_general3A_5, %mul3A : vector<256x64xf32>
    %get3A_10 = arith.constant 0 : index
    %get3A_11 = arith.constant 0 : index
    %get3A_12 = vector.load %arg4[%get3A_10, %get3A_11] : memref<1x64xf32, #tpu.memory_space<vmem>>, vector<1x64xf32>
    %add3A = vector.broadcast %get3A_12 : vector<1x64xf32> to vector<256x64xf32>
    %add3A_13 = arith.addf %mul3A_9, %add3A : vector<256x64xf32>
    %swap3A = arith.constant 0 : index
    %swap3A_14 = arith.constant 0 : index
    %swap3A_15 = vector.load %arg5[%swap3A, %swap3A_14] : memref<256x64xf32, #tpu.memory_space<vmem>>, vector<256x64xf32>
    tpu.vector_store %arg5[%swap3A, %swap3A_14], %add3A_13 {strides = array<i32>} : memref<256x64xf32, #tpu.memory_space<vmem>>, vector<256x64xf32>,
    return
  }
  func.func @transform_0(%arg0: i32) -> (i32, i32) {
    %c0_i32 = arith.constant 0 : i32
    %c0_i32_0 = arith.constant 0 : i32
    return %arg0, %c0_i32 : i32, i32
  }
  func.func @transform_1(%arg0: i32) -> (i32, i32) {
    %c0_i32 = arith.constant 0 : i32
    %c0_i32_0 = arith.constant 0 : i32
    %c0_i32_1 = arith.constant 0 : i32
    return %c0_i32, %c0_i32_0 : i32, i32
  }
  func.func @transform_2(%arg0: i32) -> (i32, i32) {
    %c0_i32 = arith.constant 0 : i32
    %c0_i32_0 = arith.constant 0 : i32
    %c0_i32_1 = arith.constant 0 : i32
    return %c0_i32, %c0_i32_0 : i32, i32
  }
  func.func @transform_3(%arg0: i32) -> (i32, i32) {
    %c0_i32 = arith.constant 0 : i32
    %c0_i32_0 = arith.constant 0 : i32
    %c0_i32_1 = arith.constant 0 : i32
    return %c0_i32, %c0_i32_0 : i32, i32
  }
  func.func @transform_4(%arg0: i32) -> (i32, i32) {
    %c0_i32 = arith.constant 0 : i32
    %c0_i32_0 = arith.constant 0 : i32
    return %arg0, %c0_i32 : i32, i32
  }
}

module attributes {stable_mosaic.version = 14 : i64} {
  func.func @_vq_argmin_body(%arg0: memref<4096x64xf32, #tpu.memory_space<vmem>>, %arg1: memref<64x512xf32, #tpu.memory_space<vmem>>, %arg2: memref<4096x1xi32, #tpu.memory_space<vmem>>) attributes {dimension_semantics = [], scalar_prefetch = 0 : i64, scratch_operands = 0 : i64, tpu.core_type = #tpu.core_type<tc>} {
    %get3A = arith.constant 0 : index
    %get3A_0 = arith.constant 0 : index
    %get3A_1 = vector.load %arg0[%get3A, %get3A_0] : memref<4096x64xf32, #tpu.memory_space<vmem>>, vector<4096x64xf32>
    %get3A_2 = arith.constant 0 : index
    %get3A_3 = arith.constant 0 : index
    %get3A_4 = vector.load %arg1[%get3A_2, %get3A_3] : memref<64x512xf32, #tpu.memory_space<vmem>>, vector<64x512xf32>
    %mul3A = arith.mulf %get3A_1, %get3A_1 : vector<4096x64xf32>
    %reduce_sum3A = arith.constant dense<0.000000e+00> : vector<4096xf32>
    %reduce_sum3A_5 = vector.multi_reduction <add>, %mul3A, %reduce_sum3A [1] : vector<4096x64xf32> to vector<4096xf32>
    %broadcast_in_dim3A = vector.shape_cast %reduce_sum3A_5 : vector<4096xf32> to vector<4096x1xf32>
    %mul3A_6 = arith.mulf %get3A_4, %get3A_4 : vector<64x512xf32>
    %reduce_sum3A_7 = arith.constant dense<0.000000e+00> : vector<512xf32>
    %reduce_sum3A_8 = vector.multi_reduction <add>, %mul3A_6, %reduce_sum3A_7 [0] : vector<64x512xf32> to vector<512xf32>
    %broadcast_in_dim3A_9 = vector.shape_cast %reduce_sum3A_8 : vector<512xf32> to vector<1x512xf32>
    %dot_general3A = arith.constant dense<0.000000e+00> : vector<4096x512xf32>
    %dot_general3A_10 = tpu.matmul %get3A_1, %get3A_4, %dot_general3A {dimension_numbers = #tpu.dot_dimension_numbers<[1], [0], [0], [1], [0, 0, 1, 1], [], []>, transpose_lhs_hint = false} : vector<4096x64xf32>, vector<64x512xf32>, vector<4096x512xf32> -> vector<4096x512xf32>
    %mul3A_11 = arith.constant 2.000000e+00 : f32
    %mul3A_12 = vector.broadcast %mul3A_11 : f32 to vector<4096x512xf32>
    %mul3A_13 = arith.mulf %mul3A_12, %dot_general3A_10 : vector<4096x512xf32>
    %sub3A = vector.broadcast %broadcast_in_dim3A : vector<4096x1xf32> to vector<4096x512xf32>
    %sub3A_14 = arith.subf %sub3A, %mul3A_13 : vector<4096x512xf32>
    %add3A = vector.broadcast %broadcast_in_dim3A_9 : vector<1x512xf32> to vector<4096x512xf32>
    %add3A_15 = arith.addf %sub3A_14, %add3A : vector<4096x512xf32>
    %argmin3A = tpu.reduce_index %add3A_15 {axis = 1 : i32, kind = #tpu.reduction_kind<arg_min>} : vector<4096x512xf32> -> vector<4096xi32>
    %broadcast_in_dim3A_16 = vector.shape_cast %argmin3A : vector<4096xi32> to vector<4096x1xi32>
    %swap3A = arith.constant 0 : index
    %swap3A_17 = arith.constant 0 : index
    %swap3A_18 = vector.load %arg2[%swap3A, %swap3A_17] : memref<4096x1xi32, #tpu.memory_space<vmem>>, vector<4096x1xi32>
    tpu.vector_store %arg2[%swap3A, %swap3A_17], %broadcast_in_dim3A_16 {strides = array<i32>} : memref<4096x1xi32, #tpu.memory_space<vmem>>, vector<4096x1xi32>,
    return
  }
}

module attributes {stable_mosaic.version = 14 : i64} {
  func.func @_vq_perp_body(%arg0: memref<4096x1xi32, #tpu.memory_space<vmem>>, %arg1: memref<1x1xf32, #tpu.memory_space<vmem>>) attributes {dimension_semantics = [], scalar_prefetch = 0 : i64, scratch_operands = 0 : i64, tpu.core_type = #tpu.core_type<tc>} {
    %get3A = arith.constant 0 : index
    %get3A_0 = arith.constant 0 : index
    %get3A_1 = vector.load %arg0[%get3A, %get3A_0] : memref<4096x1xi32, #tpu.memory_space<vmem>>, vector<4096x1xi32>
    %iota3A = tpu.iota {dimensions = array<i32: 1>} : vector<4096x512xi32>
    %eq3A = vector.broadcast %get3A_1 : vector<4096x1xi32> to vector<4096x512xi32>
    %eq3A_2 = arith.cmpi eq, %eq3A, %iota3A : vector<4096x512xi32>
    %convert_element_type3A = arith.extui %eq3A_2 : vector<4096x512xi1> to vector<4096x512xi32>
    %convert_element_type3A_3 = arith.sitofp %convert_element_type3A : vector<4096x512xi32> to vector<4096x512xf32>
    %reduce_sum3A = arith.constant dense<0.000000e+00> : vector<512xf32>
    %reduce_sum3A_4 = vector.multi_reduction <add>, %convert_element_type3A_3, %reduce_sum3A [0] : vector<4096x512xf32> to vector<512xf32>
    %mul3A = arith.constant 2.44140625E-4 : f32
    %mul3A_5 = vector.broadcast %mul3A : f32 to vector<512xf32>
    %mul3A_6 = arith.mulf %reduce_sum3A_4, %mul3A_5 : vector<512xf32>
    %add3A = arith.constant 1.000000e-10 : f32
    %add3A_7 = vector.broadcast %add3A : f32 to vector<512xf32>
    %add3A_8 = arith.addf %mul3A_6, %add3A_7 : vector<512xf32>
    %log3A = math.log %add3A_8 : vector<512xf32>
    %mul3A_9 = arith.mulf %mul3A_6, %log3A : vector<512xf32>
    %reduce_sum3A_10 = vector.shape_cast %mul3A_9 : vector<512xf32> to vector<1x512xf32>
    %reduce_sum3A_11 = arith.constant dense<0.000000e+00> : vector<1xf32>
    %reduce_sum3A_12 = vector.multi_reduction <add>, %reduce_sum3A_10, %reduce_sum3A_11 [1] : vector<1x512xf32> to vector<1xf32>
    %reduce_sum3A_13 = vector.shape_cast %reduce_sum3A_12 : vector<1xf32> to vector<1x1xf32>
    %reduce_sum3A_14 = vector.extract %reduce_sum3A_13[0, 0] : f32 from vector<1x1xf32>
    %neg3A = arith.constant 0.000000e+00 : f32
    %neg3A_15 = arith.subf %neg3A, %reduce_sum3A_14 : f32
    %exp3A = math.exp %neg3A_15 : f32
    %reshape3A = vector.broadcast %exp3A : f32 to vector<1x1xf32>
    %swap3A = arith.constant 0 : index
    %swap3A_16 = arith.constant 0 : index
    %swap3A_17 = vector.load %arg1[%swap3A, %swap3A_16] : memref<1x1xf32, #tpu.memory_space<vmem>>, vector<1x1xf32>
    tpu.vector_store %arg1[%swap3A, %swap3A_16], %reshape3A {strides = array<i32>} : memref<1x1xf32, #tpu.memory_space<vmem>>, vector<1x1xf32>,
    return
  }
}

module attributes {stable_mosaic.version = 14 : i64} {
  func.func @_mm_body(%arg0: i32, %arg1: memref<256x128xbf16, #tpu.memory_space<vmem>>, %arg2: memref<128x1024xbf16, #tpu.memory_space<vmem>>, %arg3: memref<1x1024xf32, #tpu.memory_space<vmem>>, %arg4: memref<1x1024xf32, #tpu.memory_space<vmem>>, %arg5: memref<256x1024xf32, #tpu.memory_space<vmem>>) attributes {dimension_semantics = [#tpu.dimension_semantics<arbitrary>], iteration_bounds = array<i64: 18>, scalar_prefetch = 0 : i64, scratch_operands = 0 : i64, tpu.core_type = #tpu.core_type<tc>, window_params = [{transform_indices = @transform_0, window_bounds = array<i64: 256, 128>}, {pipeline_mode = #tpu.pipeline_mode<synchronous>, transform_indices = @transform_1, window_bounds = array<i64: 128, 1024>}, {pipeline_mode = #tpu.pipeline_mode<synchronous>, transform_indices = @transform_2, window_bounds = array<i64: 1, 1024>}, {pipeline_mode = #tpu.pipeline_mode<synchronous>, transform_indices = @transform_3, window_bounds = array<i64: 1, 1024>}, {transform_indices = @transform_4, window_bounds = array<i64: 256, 1024>}]} {
    %get3A = arith.constant 0 : index
    %get3A_0 = arith.constant 0 : index
    %get3A_1 = vector.load %arg1[%get3A, %get3A_0] : memref<256x128xbf16, #tpu.memory_space<vmem>>, vector<256x128xbf16>
    %get3A_2 = arith.constant 0 : index
    %get3A_3 = arith.constant 0 : index
    %get3A_4 = vector.load %arg2[%get3A_2, %get3A_3] : memref<128x1024xbf16, #tpu.memory_space<vmem>>, vector<128x1024xbf16>
    %dot_general3A = arith.constant dense<0.000000e+00> : vector<256x1024xf32>
    %dot_general3A_5 = tpu.matmul %get3A_1, %get3A_4, %dot_general3A {dimension_numbers = #tpu.dot_dimension_numbers<[1], [0], [0], [1], [0, 0, 1, 1], [], []>, transpose_lhs_hint = false} : vector<256x128xbf16>, vector<128x1024xbf16>, vector<256x1024xf32> -> vector<256x1024xf32>
    %get3A_6 = arith.constant 0 : index
    %get3A_7 = arith.constant 0 : index
    %get3A_8 = vector.load %arg3[%get3A_6, %get3A_7] : memref<1x1024xf32, #tpu.memory_space<vmem>>, vector<1x1024xf32>
    %mul3A = vector.broadcast %get3A_8 : vector<1x1024xf32> to vector<256x1024xf32>
    %mul3A_9 = arith.mulf %dot_general3A_5, %mul3A : vector<256x1024xf32>
    %get3A_10 = arith.constant 0 : index
    %get3A_11 = arith.constant 0 : index
    %get3A_12 = vector.load %arg4[%get3A_10, %get3A_11] : memref<1x1024xf32, #tpu.memory_space<vmem>>, vector<1x1024xf32>
    %add3A = vector.broadcast %get3A_12 : vector<1x1024xf32> to vector<256x1024xf32>
    %add3A_13 = arith.addf %mul3A_9, %add3A : vector<256x1024xf32>
    %ge3A = arith.constant 0.000000e+00 : f32
    %ge3A_14 = vector.broadcast %ge3A : f32 to vector<256x1024xf32>
    %ge3A_15 = arith.cmpf oge, %add3A_13, %ge3A_14 : vector<256x1024xf32>
    %mul3A_16 = arith.constant 2.000000e-01 : f32
    %mul3A_17 = vector.broadcast %mul3A_16 : f32 to vector<256x1024xf32>
    %mul3A_18 = arith.mulf %mul3A_17, %add3A_13 : vector<256x1024xf32>
    %select_n3A = arith.select %ge3A_15, %add3A_13, %mul3A_18 : vector<256x1024xi1>, vector<256x1024xf32>
    %swap3A = arith.constant 0 : index
    %swap3A_19 = arith.constant 0 : index
    %swap3A_20 = vector.load %arg5[%swap3A, %swap3A_19] : memref<256x1024xf32, #tpu.memory_space<vmem>>, vector<256x1024xf32>
    tpu.vector_store %arg5[%swap3A, %swap3A_19], %select_n3A {strides = array<i32>} : memref<256x1024xf32, #tpu.memory_space<vmem>>, vector<256x1024xf32>,
    return
  }
  func.func @transform_0(%arg0: i32) -> (i32, i32) {
    %c0_i32 = arith.constant 0 : i32
    %c0_i32_0 = arith.constant 0 : i32
    return %arg0, %c0_i32 : i32, i32
  }
  func.func @transform_1(%arg0: i32) -> (i32, i32) {
    %c0_i32 = arith.constant 0 : i32
    %c0_i32_0 = arith.constant 0 : i32
    %c0_i32_1 = arith.constant 0 : i32
    return %c0_i32, %c0_i32_0 : i32, i32
  }
  func.func @transform_2(%arg0: i32) -> (i32, i32) {
    %c0_i32 = arith.constant 0 : i32
    %c0_i32_0 = arith.constant 0 : i32
    %c0_i32_1 = arith.constant 0 : i32
    return %c0_i32, %c0_i32_0 : i32, i32
  }
  func.func @transform_3(%arg0: i32) -> (i32, i32) {
    %c0_i32 = arith.constant 0 : i32
    %c0_i32_0 = arith.constant 0 : i32
    %c0_i32_1 = arith.constant 0 : i32
    return %c0_i32, %c0_i32_0 : i32, i32
  }
  func.func @transform_4(%arg0: i32) -> (i32, i32) {
    %c0_i32 = arith.constant 0 : i32
    %c0_i32_0 = arith.constant 0 : i32
    return %arg0, %c0_i32 : i32, i32
  }
}

module attributes {stable_mosaic.version = 14 : i64} {
  func.func @_vq_mse_body(%arg0: memref<4096x64xf32, #tpu.memory_space<vmem>>, %arg1: memref<4096x64xf32, #tpu.memory_space<vmem>>, %arg2: memref<1x1xf32, #tpu.memory_space<vmem>>, %arg3: memref<1x1xf32, #tpu.memory_space<vmem>>) attributes {dimension_semantics = [], scalar_prefetch = 0 : i64, scratch_operands = 0 : i64, tpu.core_type = #tpu.core_type<tc>} {
    %get3A = arith.constant 0 : index
    %get3A_0 = arith.constant 0 : index
    %get3A_1 = vector.load %arg1[%get3A, %get3A_0] : memref<4096x64xf32, #tpu.memory_space<vmem>>, vector<4096x64xf32>
    %get3A_2 = arith.constant 0 : index
    %get3A_3 = arith.constant 0 : index
    %get3A_4 = vector.load %arg0[%get3A_2, %get3A_3] : memref<4096x64xf32, #tpu.memory_space<vmem>>, vector<4096x64xf32>
    %sub3A = arith.subf %get3A_1, %get3A_4 : vector<4096x64xf32>
    %mul3A = arith.mulf %sub3A, %sub3A : vector<4096x64xf32>
    %reduce_sum3A = vector.shape_cast %mul3A : vector<4096x64xf32> to vector<1x4096x64xf32>
    %reduce_sum3A_5 = arith.constant dense<0.000000e+00> : vector<1xf32>
    %reduce_sum3A_6 = vector.multi_reduction <add>, %reduce_sum3A, %reduce_sum3A_5 [1, 2] : vector<1x4096x64xf32> to vector<1xf32>
    %reduce_sum3A_7 = vector.shape_cast %reduce_sum3A_6 : vector<1xf32> to vector<1x1x1xf32>
    %reduce_sum3A_8 = vector.extract %reduce_sum3A_7[0, 0, 0] : f32 from vector<1x1x1xf32>
    %div3A = arith.constant 2.621440e+05 : f32
    %div3A_9 = arith.divf %reduce_sum3A_8, %div3A : f32
    %reshape3A = vector.broadcast %div3A_9 : f32 to vector<1x1xf32>
    %swap3A = arith.constant 0 : index
    %swap3A_10 = arith.constant 0 : index
    %swap3A_11 = vector.load %arg3[%swap3A, %swap3A_10] : memref<1x1xf32, #tpu.memory_space<vmem>>, vector<1x1xf32>
    tpu.vector_store %arg3[%swap3A, %swap3A_10], %reshape3A {strides = array<i32>} : memref<1x1xf32, #tpu.memory_space<vmem>>, vector<1x1xf32>,
    %mul3A_12 = arith.constant 2.000000e-01 : f32
    %mul3A_13 = arith.mulf %mul3A_12, %div3A_9 : f32
    %add3A = arith.addf %div3A_9, %mul3A_13 : f32
    %reshape3A_14 = vector.broadcast %add3A : f32 to vector<1x1xf32>
    %swap3A_15 = arith.constant 0 : index
    %swap3A_16 = arith.constant 0 : index
    %swap3A_17 = vector.load %arg2[%swap3A_15, %swap3A_16] : memref<1x1xf32, #tpu.memory_space<vmem>>, vector<1x1xf32>
    tpu.vector_store %arg2[%swap3A_15, %swap3A_16], %reshape3A_14 {strides = array<i32>} : memref<1x1xf32, #tpu.memory_space<vmem>>, vector<1x1xf32>,
    return
  }
}

module attributes {stable_mosaic.version = 14 : i64} {
  func.func @_mm_body(%arg0: i32, %arg1: memref<256x1024xbf16, #tpu.memory_space<vmem>>, %arg2: memref<1024x512xbf16, #tpu.memory_space<vmem>>, %arg3: memref<1x512xf32, #tpu.memory_space<vmem>>, %arg4: memref<1x512xf32, #tpu.memory_space<vmem>>, %arg5: memref<256x512xf32, #tpu.memory_space<vmem>>) attributes {dimension_semantics = [#tpu.dimension_semantics<arbitrary>], iteration_bounds = array<i64: 32>, scalar_prefetch = 0 : i64, scratch_operands = 0 : i64, tpu.core_type = #tpu.core_type<tc>, window_params = [{transform_indices = @transform_0, window_bounds = array<i64: 256, 1024>}, {pipeline_mode = #tpu.pipeline_mode<synchronous>, transform_indices = @transform_1, window_bounds = array<i64: 1024, 512>}, {pipeline_mode = #tpu.pipeline_mode<synchronous>, transform_indices = @transform_2, window_bounds = array<i64: 1, 512>}, {pipeline_mode = #tpu.pipeline_mode<synchronous>, transform_indices = @transform_3, window_bounds = array<i64: 1, 512>}, {transform_indices = @transform_4, window_bounds = array<i64: 256, 512>}]} {
    %get3A = arith.constant 0 : index
    %get3A_0 = arith.constant 0 : index
    %get3A_1 = vector.load %arg1[%get3A, %get3A_0] : memref<256x1024xbf16, #tpu.memory_space<vmem>>, vector<256x1024xbf16>
    %get3A_2 = arith.constant 0 : index
    %get3A_3 = arith.constant 0 : index
    %get3A_4 = vector.load %arg2[%get3A_2, %get3A_3] : memref<1024x512xbf16, #tpu.memory_space<vmem>>, vector<1024x512xbf16>
    %dot_general3A = arith.constant dense<0.000000e+00> : vector<256x512xf32>
    %dot_general3A_5 = tpu.matmul %get3A_1, %get3A_4, %dot_general3A {dimension_numbers = #tpu.dot_dimension_numbers<[1], [0], [0], [1], [0, 0, 1, 1], [], []>, transpose_lhs_hint = false} : vector<256x1024xbf16>, vector<1024x512xbf16>, vector<256x512xf32> -> vector<256x512xf32>
    %get3A_6 = arith.constant 0 : index
    %get3A_7 = arith.constant 0 : index
    %get3A_8 = vector.load %arg3[%get3A_6, %get3A_7] : memref<1x512xf32, #tpu.memory_space<vmem>>, vector<1x512xf32>
    %mul3A = vector.broadcast %get3A_8 : vector<1x512xf32> to vector<256x512xf32>
    %mul3A_9 = arith.mulf %dot_general3A_5, %mul3A : vector<256x512xf32>
    %get3A_10 = arith.constant 0 : index
    %get3A_11 = arith.constant 0 : index
    %get3A_12 = vector.load %arg4[%get3A_10, %get3A_11] : memref<1x512xf32, #tpu.memory_space<vmem>>, vector<1x512xf32>
    %add3A = vector.broadcast %get3A_12 : vector<1x512xf32> to vector<256x512xf32>
    %add3A_13 = arith.addf %mul3A_9, %add3A : vector<256x512xf32>
    %ge3A = arith.constant 0.000000e+00 : f32
    %ge3A_14 = vector.broadcast %ge3A : f32 to vector<256x512xf32>
    %ge3A_15 = arith.cmpf oge, %add3A_13, %ge3A_14 : vector<256x512xf32>
    %mul3A_16 = arith.constant 2.000000e-01 : f32
    %mul3A_17 = vector.broadcast %mul3A_16 : f32 to vector<256x512xf32>
    %mul3A_18 = arith.mulf %mul3A_17, %add3A_13 : vector<256x512xf32>
    %select_n3A = arith.select %ge3A_15, %add3A_13, %mul3A_18 : vector<256x512xi1>, vector<256x512xf32>
    %swap3A = arith.constant 0 : index
    %swap3A_19 = arith.constant 0 : index
    %swap3A_20 = vector.load %arg5[%swap3A, %swap3A_19] : memref<256x512xf32, #tpu.memory_space<vmem>>, vector<256x512xf32>
    tpu.vector_store %arg5[%swap3A, %swap3A_19], %select_n3A {strides = array<i32>} : memref<256x512xf32, #tpu.memory_space<vmem>>, vector<256x512xf32>,
    return
  }
  func.func @transform_0(%arg0: i32) -> (i32, i32) {
    %c0_i32 = arith.constant 0 : i32
    %c0_i32_0 = arith.constant 0 : i32
    return %arg0, %c0_i32 : i32, i32
  }
  func.func @transform_1(%arg0: i32) -> (i32, i32) {
    %c0_i32 = arith.constant 0 : i32
    %c0_i32_0 = arith.constant 0 : i32
    %c0_i32_1 = arith.constant 0 : i32
    return %c0_i32, %c0_i32_0 : i32, i32
  }
  func.func @transform_2(%arg0: i32) -> (i32, i32) {
    %c0_i32 = arith.constant 0 : i32
    %c0_i32_0 = arith.constant 0 : i32
    %c0_i32_1 = arith.constant 0 : i32
    return %c0_i32, %c0_i32_0 : i32, i32
  }
  func.func @transform_3(%arg0: i32) -> (i32, i32) {
    %c0_i32 = arith.constant 0 : i32
    %c0_i32_0 = arith.constant 0 : i32
    %c0_i32_1 = arith.constant 0 : i32
    return %c0_i32, %c0_i32_0 : i32, i32
  }
  func.func @transform_4(%arg0: i32) -> (i32, i32) {
    %c0_i32 = arith.constant 0 : i32
    %c0_i32_0 = arith.constant 0 : i32
    return %arg0, %c0_i32 : i32, i32
  }
}

module attributes {stable_mosaic.version = 14 : i64} {
  func.func @_dec_scan_body(%arg0: i32, %arg1: memref<1x256x265xbf16, #tpu.memory_space<vmem>>, %arg2: memref<1x256x9xf32, #tpu.memory_space<vmem>>, %arg3: memref<1x256x9xf32, #tpu.memory_space<vmem>>, %arg4: memref<256x512xf32, #tpu.memory_space<vmem>>, %arg5: memref<265x1536xbf16, #tpu.memory_space<vmem>>, %arg6: memref<1x1536xf32, #tpu.memory_space<vmem>>, %arg7: memref<9x1536xbf16, #tpu.memory_space<vmem>>, %arg8: memref<512x1536xbf16, #tpu.memory_space<vmem>>, %arg9: memref<1x1536xf32, #tpu.memory_space<vmem>>, %arg10: memref<512x1536xbf16, #tpu.memory_space<vmem>>, %arg11: memref<1x1536xf32, #tpu.memory_space<vmem>>, %arg12: memref<512x1536xbf16, #tpu.memory_space<vmem>>, %arg13: memref<1x1536xf32, #tpu.memory_space<vmem>>, %arg14: memref<512x9xf32, #tpu.memory_space<vmem>>, %arg15: memref<1x9xf32, #tpu.memory_space<vmem>>, %arg16: memref<1x1xf32, #tpu.memory_space<smem>>, %arg17: memref<1x256x9xf32, #tpu.memory_space<vmem>>, %arg18: memref<256x512xf32, #tpu.memory_space<vmem>>, %arg19: memref<256x512xf32, #tpu.memory_space<vmem>>, %arg20: memref<256x9xf32, #tpu.memory_space<vmem>>) attributes {dimension_semantics = [#tpu.dimension_semantics<arbitrary>], iteration_bounds = array<i64: 64>, scalar_prefetch = 0 : i64, scratch_operands = 3 : i64, tpu.core_type = #tpu.core_type<tc>, window_params = [{transform_indices = @transform_0, window_bounds = array<i64: 1, 256, 265>}, {transform_indices = @transform_1, window_bounds = array<i64: 1, 256, 9>}, {transform_indices = @transform_2, window_bounds = array<i64: 1, 256, 9>}, {pipeline_mode = #tpu.pipeline_mode<synchronous>, transform_indices = @transform_3, window_bounds = array<i64: 256, 512>}, {pipeline_mode = #tpu.pipeline_mode<synchronous>, transform_indices = @transform_4, window_bounds = array<i64: 265, 1536>}, {pipeline_mode = #tpu.pipeline_mode<synchronous>, transform_indices = @transform_5, window_bounds = array<i64: 1, 1536>}, {pipeline_mode = #tpu.pipeline_mode<synchronous>, transform_indices = @transform_6, window_bounds = array<i64: 9, 1536>}, {pipeline_mode = #tpu.pipeline_mode<synchronous>, transform_indices = @transform_7, window_bounds = array<i64: 512, 1536>}, {pipeline_mode = #tpu.pipeline_mode<synchronous>, transform_indices = @transform_8, window_bounds = array<i64: 1, 1536>}, {pipeline_mode = #tpu.pipeline_mode<synchronous>, transform_indices = @transform_9, window_bounds = array<i64: 512, 1536>}, {pipeline_mode = #tpu.pipeline_mode<synchronous>, transform_indices = @transform_10, window_bounds = array<i64: 1, 1536>}, {pipeline_mode = #tpu.pipeline_mode<synchronous>, transform_indices = @transform_11, window_bounds = array<i64: 512, 1536>}, {pipeline_mode = #tpu.pipeline_mode<synchronous>, transform_indices = @transform_12, window_bounds = array<i64: 1, 1536>}, {pipeline_mode = #tpu.pipeline_mode<synchronous>, transform_indices = @transform_13, window_bounds = array<i64: 512, 9>}, {pipeline_mode = #tpu.pipeline_mode<synchronous>, transform_indices = @transform_14, window_bounds = array<i64: 1, 9>}, {transform_indices = @transform_15, window_bounds = array<i64: 1, 1>}, {transform_indices = @transform_16, window_bounds = array<i64: 1, 256, 9>}]} {
    %eq3A = arith.constant 0 : i32
    %eq3A_0 = arith.cmpi eq, %arg0, %eq3A : i32
    %convert_element_type3A = arith.extui %eq3A_0 : i1 to i32
    %cond3A = arith.constant 0 : i32
    %cond3A_1 = arith.cmpi ne, %convert_element_type3A, %cond3A : i32
    scf.if %cond3A_1 {
      %get3A_169 = arith.constant 0 : index
      %get3A_170 = arith.constant 0 : index
      %get3A_171 = vector.load %arg4[%get3A_169, %get3A_170] : memref<256x512xf32, #tpu.memory_space<vmem>>, vector<256x512xf32>
      %swap3A_172 = arith.constant 0 : index
      %swap3A_173 = arith.constant 0 : index
      %swap3A_174 = vector.load %arg18[%swap3A_172, %swap3A_173] : memref<256x512xf32, #tpu.memory_space<vmem>>, vector<256x512xf32>
      tpu.vector_store %arg18[%swap3A_172, %swap3A_173], %get3A_171 {strides = array<i32>} : memref<256x512xf32, #tpu.memory_space<vmem>>, vector<256x512xf32>,
      %broadcast_in_dim3A = arith.constant 0.000000e+00 : f32
      %broadcast_in_dim3A_175 = vector.broadcast %broadcast_in_dim3A : f32 to vector<256x9xf32>
      %swap3A_176 = arith.constant 0 : index
      %swap3A_177 = arith.constant 0 : index
      %swap3A_178 = vector.load %arg20[%swap3A_176, %swap3A_177] : memref<256x9xf32, #tpu.memory_space<vmem>>, vector<256x9xf32>
      tpu.vector_store %arg20[%swap3A_176, %swap3A_177], %broadcast_in_dim3A_175 {strides = array<i32>} : memref<256x9xf32, #tpu.memory_space<vmem>>, vector<256x9xf32>,
    } else {
    }
    %get3A = arith.constant 0 : index
    %get3A_2 = arith.constant 0 : index
    %get3A_3 = memref.load %arg16[%get3A, %get3A_2] : memref<1x1xf32, #tpu.memory_space<smem>>
    %gt3A = arith.constant 0.000000e+00 : f32
    %gt3A_4 = arith.cmpf ogt, %get3A_3, %gt3A : f32
    %get3A_5 = arith.constant 0 : index
    %get3A_6 = arith.constant 0 : index
    %get3A_7 = arith.constant 0 : index
    %get3A_8 = vector.load %arg2[%get3A_5, %get3A_6, %get3A_7] : memref<1x256x9xf32, #tpu.memory_space<vmem>>, vector<1x256x9xf32>
    %get3A_9 = vector.shape_cast %get3A_8 : vector<1x256x9xf32> to vector<256x9xf32>
    %get3A_10 = arith.constant 0 : index
    %get3A_11 = arith.constant 0 : index
    %get3A_12 = vector.load %arg20[%get3A_10, %get3A_11] : memref<256x9xf32, #tpu.memory_space<vmem>>, vector<256x9xf32>
    %select_n3A = arith.select %gt3A_4, %get3A_9, %get3A_12 : vector<256x9xf32>
    %get3A_13 = arith.constant 0 : index
    %get3A_14 = arith.constant 0 : index
    %get3A_15 = arith.constant 0 : index
    %get3A_16 = vector.load %arg1[%get3A_13, %get3A_14, %get3A_15] : memref<1x256x265xbf16, #tpu.memory_space<vmem>>, vector<1x256x265xbf16>
    %get3A_17 = vector.shape_cast %get3A_16 : vector<1x256x265xbf16> to vector<256x265xbf16>
    %get3A_18 = arith.constant 0 : index
    %get3A_19 = arith.constant 0 : index
    %get3A_20 = vector.load %arg5[%get3A_18, %get3A_19] : memref<265x1536xbf16, #tpu.memory_space<vmem>>, vector<265x1536xbf16>
    %dot_general3A = arith.constant dense<0.000000e+00> : vector<256x1536xf32>
    %dot_general3A_21 = tpu.matmul %get3A_17, %get3A_20, %dot_general3A {dimension_numbers = #tpu.dot_dimension_numbers<[1], [0], [0], [1], [0, 0, 1, 1], [], []>, transpose_lhs_hint = false} : vector<256x265xbf16>, vector<265x1536xbf16>, vector<256x1536xf32> -> vector<256x1536xf32>
    %get3A_22 = arith.constant 0 : index
    %get3A_23 = arith.constant 0 : index
    %get3A_24 = vector.load %arg6[%get3A_22, %get3A_23] : memref<1x1536xf32, #tpu.memory_space<vmem>>, vector<1x1536xf32>
    %add3A = vector.broadcast %get3A_24 : vector<1x1536xf32> to vector<256x1536xf32>
    %add3A_25 = arith.addf %dot_general3A_21, %add3A : vector<256x1536xf32>
    %convert_element_type3A_26 = arith.truncf %select_n3A : vector<256x9xf32> to vector<256x9xbf16>
    %get3A_27 = arith.constant 0 : index
    %get3A_28 = arith.constant 0 : index
    %get3A_29 = vector.load %arg7[%get3A_27, %get3A_28] : memref<9x1536xbf16, #tpu.memory_space<vmem>>, vector<9x1536xbf16>
    %dot_general3A_30 = arith.constant dense<0.000000e+00> : vector<256x1536xf32>
    %dot_general3A_31 = tpu.matmul %convert_element_type3A_26, %get3A_29, %dot_general3A_30 {dimension_numbers = #tpu.dot_dimension_numbers<[1], [0], [0], [1], [0, 0, 1, 1], [], []>, transpose_lhs_hint = false} : vector<256x9xbf16>, vector<9x1536xbf16>, vector<256x1536xf32> -> vector<256x1536xf32>
    %add3A_32 = arith.addf %add3A_25, %dot_general3A_31 : vector<256x1536xf32>
    %get3A_33 = arith.constant 0 : index
    %get3A_34 = arith.constant 0 : index
    %get3A_35 = vector.load %arg18[%get3A_33, %get3A_34] : memref<256x512xf32, #tpu.memory_space<vmem>>, vector<256x512xf32>
    %convert_element_type3A_36 = arith.truncf %get3A_35 : vector<256x512xf32> to vector<256x512xbf16>
    %get3A_37 = arith.constant 0 : index
    %get3A_38 = arith.constant 0 : index
    %get3A_39 = vector.load %arg8[%get3A_37, %get3A_38] : memref<512x1536xbf16, #tpu.memory_space<vmem>>, vector<512x1536xbf16>
    %dot_general3A_40 = arith.constant dense<0.000000e+00> : vector<256x1536xf32>
    %dot_general3A_41 = tpu.matmul %convert_element_type3A_36, %get3A_39, %dot_general3A_40 {dimension_numbers = #tpu.dot_dimension_numbers<[1], [0], [0], [1], [0, 0, 1, 1], [], []>, transpose_lhs_hint = false} : vector<256x512xbf16>, vector<512x1536xbf16>, vector<256x1536xf32> -> vector<256x1536xf32>
    %get3A_42 = arith.constant 0 : index
    %get3A_43 = arith.constant 0 : index
    %get3A_44 = vector.load %arg9[%get3A_42, %get3A_43] : memref<1x1536xf32, #tpu.memory_space<vmem>>, vector<1x1536xf32>
    %add3A_45 = vector.broadcast %get3A_44 : vector<1x1536xf32> to vector<256x1536xf32>
    %add3A_46 = arith.addf %dot_general3A_41, %add3A_45 : vector<256x1536xf32>
    %slice3A = vector.extract_strided_slice %add3A_32 {offsets = [0, 0], sizes = [256, 512], strides = [1, 1]} : vector<256x1536xf32> to vector<256x512xf32>
    %slice3A_47 = vector.extract_strided_slice %add3A_46 {offsets = [0, 0], sizes = [256, 512], strides = [1, 1]} : vector<256x1536xf32> to vector<256x512xf32>
    %add3A_48 = arith.addf %slice3A, %slice3A_47 : vector<256x512xf32>
    %logistic3A = arith.negf %add3A_48 : vector<256x512xf32>
    %logistic3A_49 = math.exp %logistic3A : vector<256x512xf32>
    %logistic3A_50 = arith.constant 1.000000e+00 : f32
    %logistic3A_51 = vector.broadcast %logistic3A_50 : f32 to vector<256x512xf32>
    %logistic3A_52 = arith.addf %logistic3A_51, %logistic3A_49 : vector<256x512xf32>
    %logistic3A_53 = arith.divf %logistic3A_51, %logistic3A_52 : vector<256x512xf32>
    %slice3A_54 = vector.extract_strided_slice %add3A_32 {offsets = [0, 512], sizes = [256, 512], strides = [1, 1]} : vector<256x1536xf32> to vector<256x512xf32>
    %slice3A_55 = vector.extract_strided_slice %add3A_46 {offsets = [0, 512], sizes = [256, 512], strides = [1, 1]} : vector<256x1536xf32> to vector<256x512xf32>
    %add3A_56 = arith.addf %slice3A_54, %slice3A_55 : vector<256x512xf32>
    %logistic3A_57 = arith.negf %add3A_56 : vector<256x512xf32>
    %logistic3A_58 = math.exp %logistic3A_57 : vector<256x512xf32>
    %logistic3A_59 = arith.constant 1.000000e+00 : f32
    %logistic3A_60 = vector.broadcast %logistic3A_59 : f32 to vector<256x512xf32>
    %logistic3A_61 = arith.addf %logistic3A_60, %logistic3A_58 : vector<256x512xf32>
    %logistic3A_62 = arith.divf %logistic3A_60, %logistic3A_61 : vector<256x512xf32>
    %slice3A_63 = vector.extract_strided_slice %add3A_32 {offsets = [0, 1024], sizes = [256, 512], strides = [1, 1]} : vector<256x1536xf32> to vector<256x512xf32>
    %slice3A_64 = vector.extract_strided_slice %add3A_46 {offsets = [0, 1024], sizes = [256, 512], strides = [1, 1]} : vector<256x1536xf32> to vector<256x512xf32>
    %mul3A = arith.mulf %logistic3A_53, %slice3A_64 : vector<256x512xf32>
    %add3A_65 = arith.addf %slice3A_63, %mul3A : vector<256x512xf32>
    %tanh3A = math.tanh %add3A_65 : vector<256x512xf32>
    %sub3A = arith.constant 1.000000e+00 : f32
    %sub3A_66 = vector.broadcast %sub3A : f32 to vector<256x512xf32>
    %sub3A_67 = arith.subf %sub3A_66, %logistic3A_62 : vector<256x512xf32>
    %mul3A_68 = arith.mulf %sub3A_67, %tanh3A : vector<256x512xf32>
    %mul3A_69 = arith.mulf %logistic3A_62, %get3A_35 : vector<256x512xf32>
    %add3A_70 = arith.addf %mul3A_68, %mul3A_69 : vector<256x512xf32>
    %eq3A_71 = arith.constant 0 : i32
    %eq3A_72 = arith.cmpi eq, %arg0, %eq3A_71 : i32
    %get3A_73 = arith.constant 0 : index
    %get3A_74 = arith.constant 0 : index
    %get3A_75 = vector.load %arg19[%get3A_73, %get3A_74] : memref<256x512xf32, #tpu.memory_space<vmem>>, vector<256x512xf32>
    %select_n3A_76 = arith.select %eq3A_72, %add3A_70, %get3A_75 : vector<256x512xf32>
    %convert_element_type3A_77 = arith.truncf %add3A_70 : vector<256x512xf32> to vector<256x512xbf16>
    %get3A_78 = arith.constant 0 : index
    %get3A_79 = arith.constant 0 : index
    %get3A_80 = vector.load %arg10[%get3A_78, %get3A_79] : memref<512x1536xbf16, #tpu.memory_space<vmem>>, vector<512x1536xbf16>
    %dot_general3A_81 = arith.constant dense<0.000000e+00> : vector<256x1536xf32>
    %dot_general3A_82 = tpu.matmul %convert_element_type3A_77, %get3A_80, %dot_general3A_81 {dimension_numbers = #tpu.dot_dimension_numbers<[1], [0], [0], [1], [0, 0, 1, 1], [], []>, transpose_lhs_hint = false} : vector<256x512xbf16>, vector<512x1536xbf16>, vector<256x1536xf32> -> vector<256x1536xf32>
    %get3A_83 = arith.constant 0 : index
    %get3A_84 = arith.constant 0 : index
    %get3A_85 = vector.load %arg11[%get3A_83, %get3A_84] : memref<1x1536xf32, #tpu.memory_space<vmem>>, vector<1x1536xf32>
    %add3A_86 = vector.broadcast %get3A_85 : vector<1x1536xf32> to vector<256x1536xf32>
    %add3A_87 = arith.addf %dot_general3A_82, %add3A_86 : vector<256x1536xf32>
    %convert_element_type3A_88 = arith.truncf %select_n3A_76 : vector<256x512xf32> to vector<256x512xbf16>
    %get3A_89 = arith.constant 0 : index
    %get3A_90 = arith.constant 0 : index
    %get3A_91 = vector.load %arg12[%get3A_89, %get3A_90] : memref<512x1536xbf16, #tpu.memory_space<vmem>>, vector<512x1536xbf16>
    %dot_general3A_92 = arith.constant dense<0.000000e+00> : vector<256x1536xf32>
    %dot_general3A_93 = tpu.matmul %convert_element_type3A_88, %get3A_91, %dot_general3A_92 {dimension_numbers = #tpu.dot_dimension_numbers<[1], [0], [0], [1], [0, 0, 1, 1], [], []>, transpose_lhs_hint = false} : vector<256x512xbf16>, vector<512x1536xbf16>, vector<256x1536xf32> -> vector<256x1536xf32>
    %get3A_94 = arith.constant 0 : index
    %get3A_95 = arith.constant 0 : index
    %get3A_96 = vector.load %arg13[%get3A_94, %get3A_95] : memref<1x1536xf32, #tpu.memory_space<vmem>>, vector<1x1536xf32>
    %add3A_97 = vector.broadcast %get3A_96 : vector<1x1536xf32> to vector<256x1536xf32>
    %add3A_98 = arith.addf %dot_general3A_93, %add3A_97 : vector<256x1536xf32>
    %slice3A_99 = vector.extract_strided_slice %add3A_87 {offsets = [0, 0], sizes = [256, 512], strides = [1, 1]} : vector<256x1536xf32> to vector<256x512xf32>
    %slice3A_100 = vector.extract_strided_slice %add3A_98 {offsets = [0, 0], sizes = [256, 512], strides = [1, 1]} : vector<256x1536xf32> to vector<256x512xf32>
    %add3A_101 = arith.addf %slice3A_99, %slice3A_100 : vector<256x512xf32>
    %logistic3A_102 = arith.negf %add3A_101 : vector<256x512xf32>
    %logistic3A_103 = math.exp %logistic3A_102 : vector<256x512xf32>
    %logistic3A_104 = arith.constant 1.000000e+00 : f32
    %logistic3A_105 = vector.broadcast %logistic3A_104 : f32 to vector<256x512xf32>
    %logistic3A_106 = arith.addf %logistic3A_105, %logistic3A_103 : vector<256x512xf32>
    %logistic3A_107 = arith.divf %logistic3A_105, %logistic3A_106 : vector<256x512xf32>
    %slice3A_108 = vector.extract_strided_slice %add3A_87 {offsets = [0, 512], sizes = [256, 512], strides = [1, 1]} : vector<256x1536xf32> to vector<256x512xf32>
    %slice3A_109 = vector.extract_strided_slice %add3A_98 {offsets = [0, 512], sizes = [256, 512], strides = [1, 1]} : vector<256x1536xf32> to vector<256x512xf32>
    %add3A_110 = arith.addf %slice3A_108, %slice3A_109 : vector<256x512xf32>
    %logistic3A_111 = arith.negf %add3A_110 : vector<256x512xf32>
    %logistic3A_112 = math.exp %logistic3A_111 : vector<256x512xf32>
    %logistic3A_113 = arith.constant 1.000000e+00 : f32
    %logistic3A_114 = vector.broadcast %logistic3A_113 : f32 to vector<256x512xf32>
    %logistic3A_115 = arith.addf %logistic3A_114, %logistic3A_112 : vector<256x512xf32>
    %logistic3A_116 = arith.divf %logistic3A_114, %logistic3A_115 : vector<256x512xf32>
    %slice3A_117 = vector.extract_strided_slice %add3A_87 {offsets = [0, 1024], sizes = [256, 512], strides = [1, 1]} : vector<256x1536xf32> to vector<256x512xf32>
    %slice3A_118 = vector.extract_strided_slice %add3A_98 {offsets = [0, 1024], sizes = [256, 512], strides = [1, 1]} : vector<256x1536xf32> to vector<256x512xf32>
    %mul3A_119 = arith.mulf %logistic3A_107, %slice3A_118 : vector<256x512xf32>
    %add3A_120 = arith.addf %slice3A_117, %mul3A_119 : vector<256x512xf32>
    %tanh3A_121 = math.tanh %add3A_120 : vector<256x512xf32>
    %sub3A_122 = arith.constant 1.000000e+00 : f32
    %sub3A_123 = vector.broadcast %sub3A_122 : f32 to vector<256x512xf32>
    %sub3A_124 = arith.subf %sub3A_123, %logistic3A_116 : vector<256x512xf32>
    %mul3A_125 = arith.mulf %sub3A_124, %tanh3A_121 : vector<256x512xf32>
    %mul3A_126 = arith.mulf %logistic3A_116, %select_n3A_76 : vector<256x512xf32>
    %add3A_127 = arith.addf %mul3A_125, %mul3A_126 : vector<256x512xf32>
    %get3A_128 = arith.constant 0 : index
    %get3A_129 = arith.constant 0 : index
    %get3A_130 = vector.load %arg14[%get3A_128, %get3A_129] : memref<512x9xf32, #tpu.memory_space<vmem>>, vector<512x9xf32>
    %dot_general3A_131 = arith.constant dense<0.000000e+00> : vector<256x9xf32>
    %dot_general3A_132 = tpu.matmul %add3A_127, %get3A_130, %dot_general3A_131 {dimension_numbers = #tpu.dot_dimension_numbers<[1], [0], [0], [1], [0, 0, 1, 1], [], []>, transpose_lhs_hint = false} : vector<256x512xf32>, vector<512x9xf32>, vector<256x9xf32> -> vector<256x9xf32>
    %get3A_133 = arith.constant 0 : index
    %get3A_134 = arith.constant 0 : index
    %get3A_135 = vector.load %arg15[%get3A_133, %get3A_134] : memref<1x9xf32, #tpu.memory_space<vmem>>, vector<1x9xf32>
    %add3A_136 = vector.broadcast %get3A_135 : vector<1x9xf32> to vector<256x9xf32>
    %add3A_137 = arith.addf %dot_general3A_132, %add3A_136 : vector<256x9xf32>
    %swap3A = arith.constant 0 : index
    %swap3A_138 = arith.constant 0 : index
    %swap3A_139 = arith.constant 0 : index
    %swap3A_140 = vector.load %arg17[%swap3A, %swap3A_138, %swap3A_139] : memref<1x256x9xf32, #tpu.memory_space<vmem>>, vector<1x256x9xf32>
    %swap3A_141 = vector.shape_cast %swap3A_140 : vector<1x256x9xf32> to vector<256x9xf32>
    %swap3A_142 = vector.shape_cast %add3A_137 : vector<256x9xf32> to vector<1x256x9xf32>
    tpu.vector_store %arg17[%swap3A, %swap3A_138, %swap3A_139], %swap3A_142 {strides = array<i32>} : memref<1x256x9xf32, #tpu.memory_space<vmem>>, vector<1x256x9xf32>,
    %logistic3A_143 = arith.negf %add3A_137 : vector<256x9xf32>
    %logistic3A_144 = math.exp %logistic3A_143 : vector<256x9xf32>
    %logistic3A_145 = arith.constant 1.000000e+00 : f32
    %logistic3A_146 = vector.broadcast %logistic3A_145 : f32 to vector<256x9xf32>
    %logistic3A_147 = arith.addf %logistic3A_146, %logistic3A_144 : vector<256x9xf32>
    %logistic3A_148 = arith.divf %logistic3A_146, %logistic3A_147 : vector<256x9xf32>
    %get3A_149 = arith.constant 0 : index
    %get3A_150 = arith.constant 0 : index
    %get3A_151 = arith.constant 0 : index
    %get3A_152 = vector.load %arg3[%get3A_149, %get3A_150, %get3A_151] : memref<1x256x9xf32, #tpu.memory_space<vmem>>, vector<1x256x9xf32>
    %get3A_153 = vector.shape_cast %get3A_152 : vector<1x256x9xf32> to vector<256x9xf32>
    %sub3A_154 = arith.subf %logistic3A_148, %get3A_153 : vector<256x9xf32>
    %gt3A_155 = arith.constant 0.000000e+00 : f32
    %gt3A_156 = vector.broadcast %gt3A_155 : f32 to vector<256x9xf32>
    %gt3A_157 = arith.cmpf ogt, %sub3A_154, %gt3A_156 : vector<256x9xf32>
    %convert_element_type3A_158 = arith.extui %gt3A_157 : vector<256x9xi1> to vector<256x9xi32>
    %convert_element_type3A_159 = arith.sitofp %convert_element_type3A_158 : vector<256x9xi32> to vector<256x9xf32>
    %swap3A_160 = arith.constant 0 : index
    %swap3A_161 = arith.constant 0 : index
    %swap3A_162 = vector.load %arg20[%swap3A_160, %swap3A_161] : memref<256x9xf32, #tpu.memory_space<vmem>>, vector<256x9xf32>
    tpu.vector_store %arg20[%swap3A_160, %swap3A_161], %convert_element_type3A_159 {strides = array<i32>} : memref<256x9xf32, #tpu.memory_space<vmem>>, vector<256x9xf32>,
    %swap3A_163 = arith.constant 0 : index
    %swap3A_164 = arith.constant 0 : index
    %swap3A_165 = vector.load %arg18[%swap3A_163, %swap3A_164] : memref<256x512xf32, #tpu.memory_space<vmem>>, vector<256x512xf32>
    tpu.vector_store %arg18[%swap3A_163, %swap3A_164], %add3A_70 {strides = array<i32>} : memref<256x512xf32, #tpu.memory_space<vmem>>, vector<256x512xf32>,
    %swap3A_166 = arith.constant 0 : index
    %swap3A_167 = arith.constant 0 : index
    %swap3A_168 = vector.load %arg19[%swap3A_166, %swap3A_167] : memref<256x512xf32, #tpu.memory_space<vmem>>, vector<256x512xf32>
    tpu.vector_store %arg19[%swap3A_166, %swap3A_167], %add3A_127 {strides = array<i32>} : memref<256x512xf32, #tpu.memory_space<vmem>>, vector<256x512xf32>,
    return
  }
  func.func @transform_0(%arg0: i32) -> (i32, i32, i32) {
    %c0_i32 = arith.constant 0 : i32
    %c0_i32_0 = arith.constant 0 : i32
    %c0_i32_1 = arith.constant 0 : i32
    return %arg0, %c0_i32, %c0_i32_0 : i32, i32, i32
  }
  func.func @transform_1(%arg0: i32) -> (i32, i32, i32) {
    %c0_i32 = arith.constant 0 : i32
    %c0_i32_0 = arith.constant 0 : i32
    %c0_i32_1 = arith.constant 0 : i32
    return %arg0, %c0_i32, %c0_i32_0 : i32, i32, i32
  }
  func.func @transform_2(%arg0: i32) -> (i32, i32, i32) {
    %c0_i32 = arith.constant 0 : i32
    %c0_i32_0 = arith.constant 0 : i32
    %c0_i32_1 = arith.constant 0 : i32
    return %arg0, %c0_i32, %c0_i32_0 : i32, i32, i32
  }
  func.func @transform_3(%arg0: i32) -> (i32, i32) {
    %c0_i32 = arith.constant 0 : i32
    %c0_i32_0 = arith.constant 0 : i32
    %c0_i32_1 = arith.constant 0 : i32
    return %c0_i32, %c0_i32_0 : i32, i32
  }
  func.func @transform_4(%arg0: i32) -> (i32, i32) {
    %c0_i32 = arith.constant 0 : i32
    %c0_i32_0 = arith.constant 0 : i32
    %c0_i32_1 = arith.constant 0 : i32
    return %c0_i32, %c0_i32_0 : i32, i32
  }
  func.func @transform_5(%arg0: i32) -> (i32, i32) {
    %c0_i32 = arith.constant 0 : i32
    %c0_i32_0 = arith.constant 0 : i32
    %c0_i32_1 = arith.constant 0 : i32
    return %c0_i32, %c0_i32_0 : i32, i32
  }
  func.func @transform_6(%arg0: i32) -> (i32, i32) {
    %c0_i32 = arith.constant 0 : i32
    %c0_i32_0 = arith.constant 0 : i32
    %c0_i32_1 = arith.constant 0 : i32
    return %c0_i32, %c0_i32_0 : i32, i32
  }
  func.func @transform_7(%arg0: i32) -> (i32, i32) {
    %c0_i32 = arith.constant 0 : i32
    %c0_i32_0 = arith.constant 0 : i32
    %c0_i32_1 = arith.constant 0 : i32
    return %c0_i32, %c0_i32_0 : i32, i32
  }
  func.func @transform_8(%arg0: i32) -> (i32, i32) {
    %c0_i32 = arith.constant 0 : i32
    %c0_i32_0 = arith.constant 0 : i32
    %c0_i32_1 = arith.constant 0 : i32
    return %c0_i32, %c0_i32_0 : i32, i32
  }
  func.func @transform_9(%arg0: i32) -> (i32, i32) {
    %c0_i32 = arith.constant 0 : i32
    %c0_i32_0 = arith.constant 0 : i32
    %c0_i32_1 = arith.constant 0 : i32
    return %c0_i32, %c0_i32_0 : i32, i32
  }
  func.func @transform_10(%arg0: i32) -> (i32, i32) {
    %c0_i32 = arith.constant 0 : i32
    %c0_i32_0 = arith.constant 0 : i32
    %c0_i32_1 = arith.constant 0 : i32
    return %c0_i32, %c0_i32_0 : i32, i32
  }
  func.func @transform_11(%arg0: i32) -> (i32, i32) {
    %c0_i32 = arith.constant 0 : i32
    %c0_i32_0 = arith.constant 0 : i32
    %c0_i32_1 = arith.constant 0 : i32
    return %c0_i32, %c0_i32_0 : i32, i32
  }
  func.func @transform_12(%arg0: i32) -> (i32, i32) {
    %c0_i32 = arith.constant 0 : i32
    %c0_i32_0 = arith.constant 0 : i32
    %c0_i32_1 = arith.constant 0 : i32
    return %c0_i32, %c0_i32_0 : i32, i32
  }
  func.func @transform_13(%arg0: i32) -> (i32, i32) {
    %c0_i32 = arith.constant 0 : i32
    %c0_i32_0 = arith.constant 0 : i32
    %c0_i32_1 = arith.constant 0 : i32
    return %c0_i32, %c0_i32_0 : i32, i32
  }
  func.func @transform_14(%arg0: i32) -> (i32, i32) {
    %c0_i32 = arith.constant 0 : i32
    %c0_i32_0 = arith.constant 0 : i32
    %c0_i32_1 = arith.constant 0 : i32
    return %c0_i32, %c0_i32_0 : i32, i32
  }
  func.func @transform_15(%arg0: i32) -> (i32, i32) {
    %c0_i32 = arith.constant 0 : i32
    %c0_i32_0 = arith.constant 0 : i32
    %c0_i32_1 = arith.constant 0 : i32
    return %c0_i32, %c0_i32_0 : i32, i32
  }
  func.func @transform_16(%arg0: i32) -> (i32, i32, i32) {
    %c0_i32 = arith.constant 0 : i32
    %c0_i32_0 = arith.constant 0 : i32
    %c0_i32_1 = arith.constant 0 : i32
    return %arg0, %c0_i32, %c0_i32_0 : i32, i32, i32
  }
}

</mosaic_0001>

<sc_bundles>
// kernel: kernel.18.cloned.1.call-start
scs
__scs_entry_jumppad:
0x0: {  	(pc) =	sbr.rel $0x88, $3  }
0x1: {  	(tag) =	ssettag $0x0;
	lr =	simm.s32 $0x1  }
0x2: {  	[smem:$0x3F6F] =	sst lr;
	_ =	strace $0xD0000000  }
0x3: {  	_ = 	snop  }
0x4: {  	_ = 	snop  }
0x5: {  	_ = 	snop  }
0x6: {  	_ = 	snop  }
0x7: {  	_ = 	snop  }
__scs_overlays_trampoline_lowered:
0x8: {  	[smem:$0x3F7E] =	sst s0  }
0x9: {  	[smem:$0x3F7F] =	sst s1  }
0xa: {  	[smem:$0x3F80] =	sst s2  }
0xb: {  	[smem:$0x3F81] =	sst s3  }
0xc: {  	[smem:$0x3F82] =	sst s4  }
0xd: {  	[smem:$0x3F83] =	sst s5  }
0xe: {  	[smem:$0x3F84] =	sst s6  }
0xf: {  	[smem:$0x3F85] =	sst s7  }
0x10: {  	[smem:$0x3F86] =	sst s8  }
0x11: {  	[smem:$0x3F87] =	sst s9;
	s0 =	simm.s32 @!p0 $0x0  }
0x12: {  	s1 =	sld [smem:$0x3F6D];
	s0 =	simm.s32 @p0 $0x1  }
0x13: {  	[smem:$0x3F88] =	sst s0;
	s0 =	simm.s32 @!p1 $0x0  }
0x14: {  	s2 =	sld [smem:$0x3F6C];
	s0 =	simm.s32 @p1 $0x1  }
0x15: {  	[smem:$0x3F89] =	sst s0;
	s0 =	simm.s32 @!p2 $0x0  }
0x16: {  	s3 =	sld [smem:$0x3FDB];
	s0 =	simm.s32 @p2 $0x1  }
0x17: {  	s4 =	simm.s32 $0x1BF5;
	[smem:$0x3F8B] =	sst s0  }
0x18: {  	s0 =	sld [smem:$0x3F6E];
	_ =	swait.ge [sflag:s4], $0x0  }
0x19: {  	s7 =	sld [smem:$0x3F6F]  }
0x1a: {  	s8 =	sadd.s32 $0xFFFFE003, lr  }
0x1b: {  	s9 =	sadd.s32 $0xFFFFFEF7, lr;
	s5 =	simm.s32 $0xFFFFFFFF;
	p2 =	slt.u32 s8, $0xFFFFF086  }
0x1c: {  	p1 =	slt.u32 s9, $0xF7A;
	s5 =	simm.s32 @!p2 $0x0  }
0x1d: {  	s5 =	simm.s32 @p1 $0x1;
	p0 =	seq.s32 s7, s2  }
0x1e: {  	s7 =	smul.u32 @!p0 $0xF7A, s2;
	p2 =	seq.s32 @!p0 s5, $0x0  }
0x1f: {  	s9 =	smul.u32 $0xF7A, s1;
	s8 =	simm.s32 @!p0 $0x1BF5;
	p2 =	por !p2, p0  }
0x20: {  	[sflag:s8] =	ssyncset.s32 @!p0 $0xFFFFF086;
	s6 =	sadd.s32 @!p0 s3, s7;
	s7 =	simm.s32 @!p0 $0x108  }
0x21: {  	s3 =	sadd.s32 s3, s9;
	s6 =	sadd.s32 @!p0 $0x88, s6;
	s7 =	simm.s32 @p2 $0x1082  }
0x22: {  	[simem:s7], [sflag:s8] =	dma.local @!p0 [hbm:s6], $0xF7A  }
0x23: {  	s9 =	sor.u32 $0xD0000000, s2;
	s6 =	simm.s32 $0x108;
	_ =	swait.ge @!p0 [sflag:s8], $0x0  }
0x24: {  	s3 =	sadd.s32 $0x88, s3;
	s6 =	simm.s32 @!p1 $0x1082;
	[sflag:s4] =	ssyncset.s32 $0xFFFFF086  }
0x25: {  	[simem:s6], [sflag:s4] =	dma.local [hbm:s3], $0xF7A  }
0x26: {  	[smem:$0x3F6F] =	sst s1;
	(tag) =	ssettag s2;
	_ =	strace s9  }
0x27: {  	s1 =	sld [smem:$0x3F7F]  }
0x28: {  	s2 =	sld [smem:$0x3F80]  }
0x29: {  	s4 =	sld [smem:$0x3F82]  }
0x2a: {  	p0 =	seq.s32 s5, $0x0;
	s5 =	sld [smem:$0x3F83]  }
0x2b: {  	s6 =	sld [smem:$0x3F84]  }
0x2c: {  	s7 =	sld [smem:$0x3F85]  }
0x2d: {  	s3 =	simm.s32 $0x108;
	s8 =	sld [smem:$0x3F86]  }
0x2e: {  	s3 =	simm.s32 @!p0 $0x1082;
	s9 =	sld [smem:$0x3F87]  }
0x2f: {  	lr =	sadd.s32 s0, s3;
	s0 =	sld [smem:$0x3F7E]  }
0x30: {  	s3 =	sld [smem:$0x3F81]  }
0x31: {  	[smem:$0x3F8A] =	sst s10  }
0x32: {  	s10 =	sld [smem:$0x3F88];
	_ =	sdelay $0x3  }
0x33: {  	p0 =	seq.s32 s10, $0x1;
	s10 =	sld [smem:$0x3F8A];
	_ =	sdelay $0x3  }
0x34: {  	[smem:$0x3F8A] =	sst s10  }
0x35: {  	s10 =	sld [smem:$0x3F89];
	_ =	sdelay $0x3  }
0x36: {  	p1 =	seq.s32 s10, $0x1;
	s10 =	sld [smem:$0x3F8A];
	_ =	sdelay $0x3  }
0x37: {  	[smem:$0x3F8A] =	sst s10  }
0x38: {  	s10 =	sld [smem:$0x3F8B]  }
0x39: {  	_ = 	snop;
	(pc) =	sbr.ind lr, $3  }
0x3a: {  	_ = 	snop  }
0x3b: {  	_ = 	snop  }
0x3c: {  	p2 =	seq.s32 s10, $0x1;
	s10 =	sld [smem:$0x3F8A]  }
0x3d: {  	_ =	shalt  }
0x3e: {  	_ =	shalt  }
0x3f: {  	_ =	shalt  }
0x40: {  	_ =	shalt  }
0x41: {  	_ =	shalt  }
0x42: {  	_ =	shalt  }
0x43: {  	_ =	shalt  }
0x44: {  	_ =	shalt  }
0x45: {  	_ =	shalt  }
0x46: {  	_ =	shalt  }
0x47: {  	_ =	shalt  }
0x48: {  	_ =	shalt  }
0x49: {  	_ =	shalt  }
0x4a: {  	_ =	shalt  }
0x4b: {  	_ =	shalt  }
0x4c: {  	_ =	shalt  }
0x4d: {  	_ =	shalt  }
0x4e: {  	_ =	shalt  }
0x4f: {  	_ =	shalt  }
0x50: {  	_ =	shalt  }
0x51: {  	_ =	shalt  }
0x52: {  	_ =	shalt  }
0x53: {  	_ =	shalt  }
0x54: {  	_ =	shalt  }
0x55: {  	_ =	shalt  }
0x56: {  	_ =	shalt  }
0x57: {  	_ =	shalt  }
0x58: {  	_ =	shalt  }
0x59: {  	_ =	shalt  }
0x5a: {  	_ =	shalt  }
0x5b: {  	_ =	shalt  }
0x5c: {  	_ =	shalt  }
0x5d: {  	_ =	shalt  }
0x5e: {  	_ =	shalt  }
0x5f: {  	_ =	shalt  }
0x60: {  	_ =	shalt  }
0x61: {  	_ =	shalt  }
0x62: {  	_ =	shalt  }
0x63: {  	_ =	shalt  }
0x64: {  	_ =	shalt  }
0x65: {  	_ =	shalt  }
0x66: {  	_ =	shalt  }
0x67: {  	_ =	shalt  }
0x68: {  	_ =	shalt  }
0x69: {  	_ =	shalt  }
0x6a: {  	_ =	shalt  }
0x6b: {  	_ =	shalt  }
0x6c: {  	_ =	shalt  }
0x6d: {  	_ =	shalt  }
0x6e: {  	_ =	shalt  }
0x6f: {  	_ =	shalt  }
0x70: {  	_ =	shalt  }
0x71: {  	_ =	shalt  }
0x72: {  	_ =	shalt  }
0x73: {  	_ =	shalt  }
0x74: {  	_ =	shalt  }
0x75: {  	_ =	shalt  }
0x76: {  	_ =	shalt  }
0x77: {  	_ =	shalt  }
0x78: {  	_ =	shalt  }
0x79: {  	_ =	shalt  }
0x7a: {  	_ =	shalt  }
0x7b: {  	_ =	shalt  }
0x7c: {  	_ =	shalt  }
0x7d: {  	_ =	shalt  }
0x7e: {  	_ =	shalt  }
0x7f: {  	_ =	shalt  }
0x80: {  	_ =	shalt  }
0x81: {  	_ =	shalt  }
0x82: {  	_ =	shalt  }
0x83: {  	_ =	shalt  }
0x84: {  	_ =	shalt  }
0x85: {  	_ =	shalt  }
0x86: {  	_ =	shalt  }
0x87: {  	_ =	shalt  }
.Lfunc_end0:
.L_simem_size_0:
called_computation_lowered:
.L_overlay_start_0:
0x88: {  	s2 =	sld [smem:$0x3FD9]  }
0x89: {  	s3 =	sld [smem:$0x3FFE];
	_ =	sdelay $0x1  }
0x8a: {  	s1 =	srdreg.scid  }
0x8b: {  	s0 =	sand.u32 $0x1, s1  }
0x8c: {  	s14 =	sshll.u32 s0, $0xA;
	s2 =	sadd.s32 s3, s2  }
0x8d: {  	s2 =	sadd.s32 s2, s14  }
0x8e: {  	[smem:$0x3F96] =	sst s2  }
0x8f: {  	_ = 	snop  }
0x90: {  	s2 =	sld [smem:$0x3FD0];
	_ =	sdelay $0x2  }
0x91: {  	s15 =	simm.s32 $0xA;
	s4 =	simm.s32 $0x10  }
0x92: {  	[smem:s4], [sflag:s15] =	dma.local [hbm:s2], $0x1  }
0x93: {  	_ =	swait.eq [sflag:s15], $0x1  }
0x94: {  	[sflag:s15] =	ssyncset.done $0x0  }
0x95: {  	[sflag:s15] =	ssyncadd.s32 $0xFFFFFFFF  }
0x96: {  	s16 =	sld [smem:$0x11];
	(tm) =	ssettm $0x1  }
0x97: {  	s17 =	sld [smem:$0x3FFB];
	_ =	sdelay $0x3  }
0x98: {  	_ =	strace s17  }
0x99: {  	s3 =	sld [smem:$0x3FFC];
	_ =	sdelay $0x3  }
0x9a: {  	_ =	strace s3  }
0x9b: {  	s3 =	sld [smem:$0x3FFD];
	_ =	sdelay $0x3  }
0x9c: {  	_ =	strace s3  }
0x9d: {  	_ =	strace $0x8FFFFFFF  }
0x9e: {  	s18 =	sld [smem:$0x3FDB];
	_ =	sdelay $0x1  }
0x9f: {  	s19 =	simm.s32 $_scs_section_size  }
0xa0: {  	s5 =	simm.s32 $_size__tile_overlayer_lowered;
	s6 =	simm.s32 $_tile_overlayer_lowered  }
0xa1: {  	s22 =	simm.s32 $0x1BFF;
	s21 =	sshll.u32 s6, $0x1;
	s3 =	sadd.s32 s19, s18  }
0xa2: {  	s7 =	simm.s32 $0x0;
	s20 =	sshll.u32 s5, $0x1;
	s5 =	sadd.s32 s21, s3  }
0xa3: {  	[timem:s7], [sflag:s22] =	dma.local [hbm:s5], s20  }
0xa4: {  	_ =	swait.ge [sflag:s22], s20  }
0xa5: {  	s4 =	ssub.s32 $0x0, s20;
	[sflag:s22] =	ssyncset.done $0x0  }
0xa6: {  	[sflag:s22] =	ssyncadd.s32 s4;
	_ =	sdelay $0x1  }
0xa7: {  	s23 =	simm.s32 $0x1B8B  }
0xa8: {  	_ =	swait.ge [sflag:s23], $0x1  }
0xa9: {  	[sflag:s23] =	ssyncset.done $0x0  }
0xaa: {  	s25 =	simm.s32 $0x1B8E;
	s24 =	sld [smem:$0x3FFE];
	[sflag:s23] =	ssyncadd.s32 $0xFFFFFFFF  }
0xab: {  	s26 =	simm.s32 $execute0_lowered;
	[smem:$0x3FD2] =	sst s25  }
0xac: {  	s5 =	sshll.u32 s26, $0x1;
	_ =	strace $0x80000046;
	[dreg:$0x1] =	wrdreg $0xFFFFFFFF  }
0xad: {  	s28 =	simm.s32 $_size_execute0_lowered;
	s3 =	sadd.s32 s3, s5;
	[dreg:$0x0] =	wrdreg $0x0  }
0xae: {  	s5 =	sshll.u32 s28, $0x1;
	[dreg:$0x2] =	wrdreg s3  }
0xaf: {  	[dreg:$0x3] =	wrdreg s5  }
0xb0: {  	[dreg:$0x4] =	wrdreg $0xC0  }
0xb1: {  	_ =	task [dreg:s7], $0x5FFFF  }
0xb2: {  	[dreg:$0x1] =	wrdreg $0xFFFFFFFF  }
0xb3: {  	[dreg:$0x0] =	wrdreg $0x60  }
0xb4: {  	[dreg:$0x2] =	wrdreg s16  }
0xb5: {  	[dreg:$0x3] =	wrdreg s24  }
0xb6: {  	[dreg:$0x4] =	wrdreg $0x9  }
0xb7: {  	_ =	task.clear_ibuf [dreg:s7], $0x5FFFF;
	_ =	strace $0x90000046  }
0xb8: {  	s29 =	simm.s32 $0x9;
	_ =	strace $0x80000048  }
0xb9: {  	_ =	swait.ge [sflag:s29], $0x1  }
0xba: {  	[sflag:s29] =	ssyncadd.s32 $0xFFFFFFFF  }
0xbb: {  	_ =	strace $0x90000048  }
0xbc: {  	_ =	sfence  }
0xbd: {  	s30 =	sld [smem:$0x0];
	_ =	sdelay $0x2  }
0xbe: {  	s31 =	sshll.u32 s1, $0xD;
	s1 =	sshrl.u32 s1, $0x2  }
0xbf: {  	s3 =	sand.u32 $0x4000, s31;
	s1 =	sadd.s32 s1, s30  }
0xc0: {  	s0 =	sor.u32 s3, s0;
	s1 =	sshll.u32 s1, $0x11  }
0xc1: {  	s0 =	sor.u32 s1, s0  }
0xc2: {  	s0 =	sadd.s32 $0x8F2B, s0  }
0xc3: {  	[sflag:s0] =	ssyncadd.remote.s32 $0x1  }
0xc4: {  	_ =	sfence.sel $0xFFFF  }
0xc5: {  	[dreg:$0x0] =	wrdreg $0xFFFFFFFF;
	(pc) =	sbr.abs _section_cstart, $3  }
0xc6: {  	[dreg:$0x1] =	wrdreg $0xFFFFFFFF  }
0xc7: {  	_ =	task.clear_ibuf [dreg:s7], $0x2FFFF;
	_ =	strace $0x9FFFFFFF  }
0xc8: {  	(tm) =	ssettm $0x7FFFFFFF  }
0xc9: {  	_ =	shalt  }
tec
execute0_lowered:
.L_overlay_start_1:
0x0: {  	(tag) =	ssettag $0x1  }
0x1: {  	s1 =	srdreg.scid  }
0x2: {  	s0 =	stileid.u32;
	s6 =	sand.u32 $0x1, s1  }
0x3: {  	s2 =	rddreg [dreg:$0x0];
	s30 =	sshll.u32 s0, $0x8;
	s3 =	sshll.u32 s6, $0x7  }
0x4: {  	s8 =	rddreg [dreg:$0x1];
	s7 =	simm.s32 $0x1;
	s9 =	sor.u32 s3, s30  }
0x5: {  	s1 =	rddreg [dreg:$0x2];
	s3 =	simm.s32 $0x0;
	s4 =	sshrl.u32 s9, $0x3  }
0x6: {  	s10 =	ssub.s32 $0x2, s6;
	[smem:$0x7FF] =	sst s3;
	s4 =	sadd.s32 s4, s8  }
0x7: {  	_ =	strace $0x80000047;
	s5 =	sadd.s32 $0x4AC00, s4;
	s4 =	simm.s32 $0x2  }
0x8: {  	[tilespmem:s3], [sflag:$0x2] =	stream.linear.gather [hbm4b:s5+s3], $0x80, $0x38;
	[tilespmem:$0x4080] =	vst v63  }
0x9: {  	s6 =	simm.s32 $0x80;
	s11 =	sshrl.u32 s10, $0x1;
	_ =	swait.ge [sflag:s4], $0x80  }
0xa: {  	s9 =	sshll.u32 s9, $0x4;
	s31 =	ssub.s32 s10, s11;
	[sflag:s4] =	ssyncset.done $0x0  }
0xb: {  	s8 =	sadd.s32 s9, s8;
	s9 =	smax.u32 s31, $0x1;
	[sflag:s4] =	ssyncadd.s32 $0xFFFFFF80  }
0xc: {  	[tilespmem:s6], [sflag:$0x1] =	stream.indirect.gather [hbm4b:s2+s6], $0x80, s3, s6, $0xb8;
	[tilespmem:$0x4080] =	vst v63  }
0xd: {  	p0 =	sne.s32 s9, $0x1;
	_ =	swait.ge [sflag:s7], $0x4000  }
.Ltmp0:
0xe: {  	[sflag:s7] =	ssyncset.done $0x0;
	(pc) =	sbr.rel @!p0 .LBB2_2-.Ltmp0, $4  }
0xf: {  	s8 =	sadd.s32 $0x4AE00, s8;
	[sflag:s7] =	ssyncadd.s32 $0xFFFFC000  }
0x10: {  	[hbm4b:s8+s3] =	stream.linear.scatter [tilespmem:s6], [sflag:$0x2], $0x4000, $0x38;
	[tilespmem:$0x4080] =	vst v63  }
0x11: {  	_ =	swait.ge [sflag:s4], $0x4000  }
0x12: {  	s9 =	sadd.s32 $0xFFFFFFFF, s9;
	[sflag:s4] =	ssyncset.done $0x0  }
.LBB2_1:
0x13: {  	p0 =	sne.s32 s9, $0x1;
	s9 =	sadd.s32 $0xFFFFFFFF, s9;
	[sflag:s4] =	ssyncadd.s32 $0xFFFFC000  }
0x14: {  	[tilespmem:s3], [sflag:$0x2] =	stream.linear.gather [hbm4b:s5+s3], $0x80, $0x38;
	[tilespmem:$0x4080] =	vst v63  }
0x15: {  	_ =	swait.ge [sflag:s4], $0x80  }
0x16: {  	[sflag:s4] =	ssyncset.done $0x0  }
0x17: {  	[sflag:s4] =	ssyncadd.s32 $0xFFFFFF80  }
0x18: {  	[tilespmem:s6], [sflag:$0x1] =	stream.indirect.gather [hbm4b:s2+s6], $0x80, s3, s6, $0xb8;
	[tilespmem:$0x4080] =	vst v63  }
0x19: {  	_ =	swait.ge [sflag:s7], $0x4000  }
.Ltmp1:
0x1a: {  	[sflag:s7] =	ssyncset.done $0x0;
	(pc) =	sbr.rel @p0 .LBB2_1-.Ltmp1, $4  }
0x1b: {  	[sflag:s7] =	ssyncadd.s32 $0xFFFFC000  }
0x1c: {  	[hbm4b:s8+s3] =	stream.linear.scatter [tilespmem:s6], [sflag:$0x2], $0x4000, $0x38;
	[tilespmem:$0x4080] =	vst v63  }
0x1d: {  	_ =	swait.ge [sflag:s4], $0x4000  }
0x1e: {  	[sflag:s4] =	ssyncset.done $0x0  }
.LBB2_2:
0x1f: {  	[sflag:s4] =	ssyncadd.s32 $0xFFFFC000  }
0x20: {  	_ =	sfence.sel $0x180000  }
0x21: {  	[bflag:$0x0] =	sbarrier.arrive $0xFFFF  }
0x22: {  	p0 =	sne.s32 s0, $0x0;
	_ =	strace $0x90000047  }
0x23: {  	s0 =	sadd.s32 @!p0 $0x100000, s1;
	[bflag:$0x2] =	sbarrier.arrive $0xFFFF  }
0x24: {  	[sflag:s0] =	ssyncadd.tile.s32 @!p0 $0x1;
	_ =	shalt  }
.Lfunc_end2:
_tile_overlayer_lowered:
.L_overlay_start_2:
0x25: {  	(tag) =	ssettag $0x2  }
0x26: {  	s0 =	rddreg [dreg:$0x0];
	s2 =	stileid.u32  }
0x27: {  	s1 =	rddreg [dreg:$0x1];
	p0 =	sne.s32 s2, $0x0  }
0x28: {  	s3 =	rddreg [dreg:$0x2];
	[bflag:$0x3] =	sbarrier.arrive $0xFFFF;
	s2 =	simm.s32 @!p0 $0x1C02  }
0x29: {  	[timem:s3], [sflag:s2] =	dma.local @!p0 [hbm:s0], s1  }
0x2a: {  	s0 =	simm.s32 @!p0 $0x2  }
0x2b: {  	_ =	swait.ge @!p0 [sflag:s0], s1  }
0x2c: {  	s1 =	ssub.s32 @!p0 $0x0, s1;
	[sflag:s0] =	ssyncset.done @!p0 $0x0  }
0x2d: {  	[sflag:s0] =	ssyncadd.s32 @!p0 s1  }
0x2e: {  	[bflag:$0x3] =	sbarrier.arrive $0xFFFF  }
0x2f: {  	_ =	shalt  }

</sc_bundles>
